<compile_context>
chip_gen: v7x
topology: tpu7x:2x2x1
jax: 0.10.2.dev20260603
libtpu: 0.0.44.dev20260713+nightly
codegen_flags: <defaults>
</compile_context>

<pallas_src>
import functools

import numpy as np
import jax
import jax.numpy as jnp
from jax import lax
from jax.experimental import pallas as pl
from jax.experimental.pallas import tpu as pltpu
from jax.experimental.pallas import tpu_sc as plsc

B = 16384
D = 13
V = 100000
F = 26
E = 2

_NC = 2
_NS = 16
_NW = _NC * _NS
_ROWS_W = B // _NW
_IDX_W = _ROWS_W * F
_PAT = 208
_NVEC = _PAT // 16
_OFF_PAT = np.asarray([(i % F) * V for i in range(_PAT)], dtype=np.int32)


def _sc_gather(emb_flat, xcat_flat, off_pat):
    mesh = plsc.VectorSubcoreMesh(core_axis_name="c", subcore_axis_name="s")

    @functools.partial(
        pl.kernel,
        mesh=mesh,
        out_type=(jax.ShapeDtypeStruct((B * F,), jnp.float32),
                  jax.ShapeDtypeStruct((B * F,), jnp.float32)),
        scratch_types=[
            pltpu.VMEM((_IDX_W,), jnp.int32),
            pltpu.VMEM((_IDX_W,), jnp.int32),
            pltpu.VMEM((_IDX_W,), jnp.float32),
            pltpu.VMEM((_IDX_W,), jnp.float32),
            pltpu.VMEM((_PAT,), jnp.int32),
            pltpu.SemaphoreType.DMA,
        ],
    )
    def k(emb_hbm, idx_hbm, off_hbm, oute_hbm, outo_hbm,
          xc_v, idxo_v, vals_e, vals_o, off_v, sem):
        wid = lax.axis_index("s") * _NC + lax.axis_index("c")
        base = wid * _IDX_W
        pltpu.sync_copy(off_hbm, off_v)
        pltpu.sync_copy(idx_hbm.at[pl.ds(base, _IDX_W)], xc_v)

        def body(j, carry):
            jb = j * _PAT
            for r in range(_NVEC):
                s = jb + r * 16
                flat2 = (xc_v[pl.ds(s, 16)] + off_v[pl.ds(r * 16, 16)]) * E
                xc_v[pl.ds(s, 16)] = flat2
                idxo_v[pl.ds(s, 16)] = flat2 + 1
            return carry

        lax.fori_loop(0, _IDX_W // _PAT, body, 0)
        c1 = pltpu.async_copy(emb_hbm.at[xc_v], vals_e, sem)
        c2 = pltpu.async_copy(emb_hbm.at[idxo_v], vals_o, sem)
        c1.wait()
        c2.wait()
        pltpu.sync_copy(vals_e, oute_hbm.at[pl.ds(base, _IDX_W)])
        pltpu.sync_copy(vals_o, outo_hbm.at[pl.ds(base, _IDX_W)])

    return k(emb_flat, xcat_flat, off_pat)


def _mlp_body(xd_ref, embe_ref, embo_ref, w1_ref, b1_ref, w2_ref, b2_ref,
              wt1d_ref, wt1e_ref, wt1o_ref, bt1_ref, wt2_ref, bt2_ref,
              wt3_ref, bt3_ref, out_ref):
    f32 = jnp.float32
    h = jnp.dot(xd_ref[...], w1_ref[...], preferred_element_type=f32)
    h = jnp.maximum(h + b1_ref[...], 0.0)
    h = jnp.dot(h, w2_ref[...], preferred_element_type=f32)
    h = jnp.maximum(h + b2_ref[...], 0.0)
    t = (jnp.dot(h, wt1d_ref[...], preferred_element_type=f32)
         + jnp.dot(embe_ref[...], wt1e_ref[...], preferred_element_type=f32)
         + jnp.dot(embo_ref[...], wt1o_ref[...], preferred_element_type=f32)
         + bt1_ref[...])
    t = jnp.maximum(t, 0.0)
    t = jnp.dot(t, wt2_ref[...], preferred_element_type=f32)
    t = jnp.maximum(t + bt2_ref[...], 0.0)
    o = jnp.dot(t, wt3_ref[...], preferred_element_type=f32) + bt3_ref[...]
    out_ref[...] = jax.nn.sigmoid(o)


def kernel(x_dense, x_cat, W_bot1, b_bot1, W_bot2, b_bot2, emb_tables,
           W_top1, b_top1, W_top2, b_top2, W_top3, b_top3):
    emb_flat = emb_tables.reshape(-1)
    xcat_flat = x_cat.astype(jnp.int32).reshape(-1)
    off_pat = jnp.asarray(_OFF_PAT)

    emb_e, emb_o = _sc_gather(emb_flat, xcat_flat, off_pat)
    emb_e = emb_e.reshape(B, F)
    emb_o = emb_o.reshape(B, F)

    wt1 = W_top1[:, 2:].T

    BLK = 4096
    full = lambda shape: pl.BlockSpec(shape, lambda i: (0, 0))
    out = pl.pallas_call(
        _mlp_body,
        grid=(B // BLK,),
        in_specs=[
            pl.BlockSpec((BLK, D), lambda i: (i, 0)),
            pl.BlockSpec((BLK, F), lambda i: (i, 0)),
            pl.BlockSpec((BLK, F), lambda i: (i, 0)),
            full((D, 3)), full((1, 3)),
            full((3, 2)), full((1, 2)),
            full((2, 4)), full((F, 4)), full((F, 4)), full((1, 4)),
            full((4, 2)), full((1, 2)),
            full((2, 1)), full((1, 1)),
        ],
        out_specs=pl.BlockSpec((BLK, 1), lambda i: (i, 0)),
        out_shape=jax.ShapeDtypeStruct((B, 1), jnp.float32),
    )(
        x_dense, emb_e, emb_o,
        W_bot1.T, b_bot1[None, :],
        W_bot2.T, b_bot2[None, :],
        W_top1[:, :2].T, wt1[0::2], wt1[1::2], b_top1[None, :],
        W_top2.T, b_top2[None, :],
        W_top3.T, b_top3[None, :],
    )
    return out

# --- scband reference (transcript-rebuilt; emitter-appended) ---
"""Pipeline reference for scband-dlrm-net-12214886989971 (READ-ONLY COPY).

The authoritative reference and input builder live on the scoring server;
editing this copy changes nothing except your own understanding.
"""

import jax, jax.numpy as jnp
import numpy as np

B = 16384
D = 13
V = 100000
F = 26
E = 2

def setup_inputs(seed: int = 0) -> dict:
    key = jax.random.key(seed)
    ks = jax.random.split(key, 16)
    x_dense = jax.random.normal(ks[0], (B, D), dtype=jnp.float32)
    x_cat = jax.random.randint(ks[1], (B, F), 0, V)
    # bottom MLP: Linear(13,3), Linear(3,2)
    W_bot1 = jax.random.normal(ks[2], (3, D), dtype=jnp.float32) * 0.1
    b_bot1 = jax.random.normal(ks[3], (3,), dtype=jnp.float32) * 0.1
    W_bot2 = jax.random.normal(ks[4], (2, 3), dtype=jnp.float32) * 0.1
    b_bot2 = jax.random.normal(ks[5], (2,), dtype=jnp.float32) * 0.1
    # 26 embedding tables, each [V, 2], stacked
    emb_tables = jax.random.normal(ks[6], (F, V, E), dtype=jnp.float32) * 0.1
    # top MLP: Linear(54,4), Linear(4,2), Linear(2,1)
    W_top1 = jax.random.normal(ks[7], (4, 2 * F + 2), dtype=jnp.float32) * 0.1
    b_top1 = jax.random.normal(ks[8], (4,), dtype=jnp.float32) * 0.1
    W_top2 = jax.random.normal(ks[9], (2, 4), dtype=jnp.float32) * 0.1
    b_top2 = jax.random.normal(ks[10], (2,), dtype=jnp.float32) * 0.1
    W_top3 = jax.random.normal(ks[11], (1, 2), dtype=jnp.float32) * 0.1
    b_top3 = jax.random.normal(ks[12], (1,), dtype=jnp.float32) * 0.1
    return {"x_dense": x_dense, "x_cat": x_cat, "W_bot1": W_bot1, "b_bot1": b_bot1,
            "W_bot2": W_bot2, "b_bot2": b_bot2, "emb_tables": emb_tables,
            "W_top1": W_top1, "b_top1": b_top1, "W_top2": W_top2, "b_top2": b_top2,
            "W_top3": W_top3, "b_top3": b_top3}

def reference(x_dense, x_cat, W_bot1, b_bot1, W_bot2, b_bot2, emb_tables,
              W_top1, b_top1, W_top2, b_top2, W_top3, b_top3):
    # bottom MLP
    h = jax.nn.relu(x_dense @ W_bot1.T + b_bot1)
    h = jax.nn.relu(h @ W_bot2.T + b_bot2)
    # per-field embedding lookups: emb_l[i](x_cat[:, i])
    embs = jax.vmap(lambda tbl, idx: jnp.take(tbl, idx, axis=0),
                    in_axes=(0, 1), out_axes=1)(emb_tables, x_cat)  # [B, F, E]
    x_cat_emb = embs.reshape(x_cat.shape[0], -1)  # [B, F*E]
    x = jnp.concatenate([h, x_cat_emb], axis=1)  # [B, 2 + 52]
    # top MLP
    x = jax.nn.relu(x @ W_top1.T + b_top1)
    x = jax.nn.relu(x @ W_top2.T + b_top2)
    x = jax.nn.sigmoid(x @ W_top3.T + b_top3)
    return x

if __name__ == "__main__":
    import jax
    _d = setup_inputs()
    print(jax.jit(kernel)(*tuple(_d.values())))

</pallas_src>

<mosaic_0001>
#map = affine_map<(d0, d1) -> (0)>
module attributes {stable_mosaic.version = 14 : i64} {
  func.func @k(%arg0: i32, %arg1: i32, %arg2: memref<5200000xf32, #tpu.memory_space<hbm>>, %arg3: memref<425984xi32, #tpu.memory_space<hbm>>, %arg4: memref<208xi32, #tpu.memory_space<hbm>>, %arg5: memref<425984xf32, #tpu.memory_space<hbm>>, %arg6: memref<425984xf32, #tpu.memory_space<hbm>>, %arg7: memref<13312xi32, #tpu.memory_space<vmem>>, %arg8: memref<13312xi32, #tpu.memory_space<vmem>>, %arg9: memref<13312xf32, #tpu.memory_space<vmem>>, %arg10: memref<13312xf32, #tpu.memory_space<vmem>>, %arg11: memref<208xi32, #tpu.memory_space<vmem>>, %arg12: memref<!tpu.dma_semaphore, #tpu.memory_space<semaphore_mem>>) attributes {dimension_semantics = [#tpu.dimension_semantics<core_parallel>, #tpu.dimension_semantics<subcore_parallel>], iteration_bounds = array<i64: 2, 16>, scalar_prefetch = 0 : i64, scratch_operands = 6 : i64, tpu.core_type = #tpu.core_type<sc_vector_subcore>, window_params = [{transform_indices = #map}, {transform_indices = #map}, {transform_indices = #map}, {transform_indices = #map}, {transform_indices = #map}]} {
    %mul3A = arith.constant 2 : i32
    %mul3A_0 = arith.muli %arg1, %mul3A : i32
    %add3A = arith.addi %mul3A_0, %arg0 : i32
    %mul3A_1 = arith.constant 13312 : i32
    %mul3A_2 = arith.muli %add3A, %mul3A_1 : i32
    "tpu.region"() ({
      %run_scoped3A = tpu.sem_alloc : memref<!tpu.dma_semaphore, #tpu.memory_space<semaphore_mem>>
      tpu.enqueue_dma source(%arg4 : memref<208xi32, #tpu.memory_space<hbm>>) target(%arg11 : memref<208xi32, #tpu.memory_space<vmem>>) target_semaphore(%run_scoped3A : memref<!tpu.dma_semaphore, #tpu.memory_space<semaphore_mem>>)
      tpu.wait_dma2 semaphore(%run_scoped3A : memref<!tpu.dma_semaphore, #tpu.memory_space<semaphore_mem>>) src(%arg4 : memref<208xi32, #tpu.memory_space<hbm>>) dst(%arg11 : memref<208xi32, #tpu.memory_space<vmem>>)
      tpu.yield
    }) : () -> ()
    "tpu.region"() ({
      %run_scoped3A = tpu.sem_alloc : memref<!tpu.dma_semaphore, #tpu.memory_space<semaphore_mem>>
      %dma_start3A_14 = tpu.memref_slice %arg3[%mul3A_2] : memref<425984xi32, #tpu.memory_space<hbm>> -> memref<13312xi32, #tpu.memory_space<hbm>>
      %dma_start3A_15 = tpu.memref_slice %arg3[%mul3A_2] : memref<425984xi32, #tpu.memory_space<hbm>> -> memref<13312xi32, #tpu.memory_space<hbm>>
      tpu.enqueue_dma source(%dma_start3A_15 : memref<13312xi32, #tpu.memory_space<hbm>>) target(%arg7 : memref<13312xi32, #tpu.memory_space<vmem>>) target_semaphore(%run_scoped3A : memref<!tpu.dma_semaphore, #tpu.memory_space<semaphore_mem>>)
      %dma_wait3A_16 = tpu.memref_slice %arg3[%mul3A_2] : memref<425984xi32, #tpu.memory_space<hbm>> -> memref<13312xi32, #tpu.memory_space<hbm>>
      %dma_wait3A_17 = tpu.memref_slice %arg3[%mul3A_2] : memref<425984xi32, #tpu.memory_space<hbm>> -> memref<13312xi32, #tpu.memory_space<hbm>>
      tpu.wait_dma2 semaphore(%run_scoped3A : memref<!tpu.dma_semaphore, #tpu.memory_space<semaphore_mem>>) src(%dma_wait3A_17 : memref<13312xi32, #tpu.memory_space<hbm>>) dst(%arg7 : memref<13312xi32, #tpu.memory_space<vmem>>)
      tpu.yield
    }) : () -> ()
    %scan3A = arith.constant 0 : i32
    %scan3A_3 = arith.constant 0 : i32
    %scan3A_4 = arith.constant 64 : i32
    %scan3A_5 = arith.addi %scan3A_3, %scan3A_4 : i32
    %scan3A_6 = arith.constant 1 : i32
    scf.for %scan3A_14 = %scan3A_3 to %scan3A_5 step %scan3A_6  : i32 {
      %mul3A_15 = arith.constant 208 : i32
      %mul3A_16 = arith.muli %scan3A_14, %mul3A_15 : i32
      %add3A_17 = arith.constant 0 : i32
      %add3A_18 = arith.addi %mul3A_16, %add3A_17 : i32
      %get3A = arith.index_cast %add3A_18 : i32 to index
      %get3A_19 = tpu.vector_load %arg7[%get3A] {strides = array<i32>} : memref<13312xi32, #tpu.memory_space<vmem>>, vector<16xi32>,
      %get3A_20 = vector.shape_cast %get3A_19 : vector<16xi32> to vector<16xi32>
      %get3A_21 = arith.constant 0 : index
      %get3A_22 = tpu.vector_load %arg11[%get3A_21] {strides = array<i32>} : memref<208xi32, #tpu.memory_space<vmem>>, vector<16xi32>,
      %get3A_23 = vector.shape_cast %get3A_22 : vector<16xi32> to vector<16xi32>
      %add3A_24 = arith.addi %get3A_20, %get3A_23 : vector<16xi32>
      %mul3A_25 = arith.constant 2 : i32
      %mul3A_26 = vector.broadcast %mul3A_25 : i32 to vector<16xi32>
      %mul3A_27 = arith.muli %add3A_24, %mul3A_26 : vector<16xi32>
      %swap3A = arith.index_cast %add3A_18 : i32 to index
      %swap3A_28 = tpu.vector_load %arg7[%swap3A] {strides = array<i32>} : memref<13312xi32, #tpu.memory_space<vmem>>, vector<16xi32>,
      %swap3A_29 = vector.shape_cast %swap3A_28 : vector<16xi32> to vector<16xi32>
      %swap3A_30 = vector.shape_cast %mul3A_27 : vector<16xi32> to vector<16xi32>
      tpu.vector_store %arg7[%swap3A], %swap3A_30 {strides = array<i32>} : memref<13312xi32, #tpu.memory_space<vmem>>, vector<16xi32>,
      %add3A_31 = arith.constant 1 : i32
      %add3A_32 = vector.broadcast %add3A_31 : i32 to vector<16xi32>
      %add3A_33 = arith.addi %mul3A_27, %add3A_32 : vector<16xi32>
      %swap3A_34 = arith.index_cast %add3A_18 : i32 to index
      %swap3A_35 = tpu.vector_load %arg8[%swap3A_34] {strides = array<i32>} : memref<13312xi32, #tpu.memory_space<vmem>>, vector<16xi32>,
      %swap3A_36 = vector.shape_cast %swap3A_35 : vector<16xi32> to vector<16xi32>
      %swap3A_37 = vector.shape_cast %add3A_33 : vector<16xi32> to vector<16xi32>
      tpu.vector_store %arg8[%swap3A_34], %swap3A_37 {strides = array<i32>} : memref<13312xi32, #tpu.memory_space<vmem>>, vector<16xi32>,
      %add3A_38 = arith.constant 16 : i32
      %add3A_39 = arith.addi %mul3A_16, %add3A_38 : i32
      %get3A_40 = arith.index_cast %add3A_39 : i32 to index
      %get3A_41 = tpu.vector_load %arg7[%get3A_40] {strides = array<i32>} : memref<13312xi32, #tpu.memory_space<vmem>>, vector<16xi32>,
      %get3A_42 = vector.shape_cast %get3A_41 : vector<16xi32> to vector<16xi32>
      %get3A_43 = arith.constant 16 : index
      %get3A_44 = tpu.vector_load %arg11[%get3A_43] {strides = array<i32>} : memref<208xi32, #tpu.memory_space<vmem>>, vector<16xi32>,
      %get3A_45 = vector.shape_cast %get3A_44 : vector<16xi32> to vector<16xi32>
      %add3A_46 = arith.addi %get3A_42, %get3A_45 : vector<16xi32>
      %mul3A_47 = arith.constant 2 : i32
      %mul3A_48 = vector.broadcast %mul3A_47 : i32 to vector<16xi32>
      %mul3A_49 = arith.muli %add3A_46, %mul3A_48 : vector<16xi32>
      %swap3A_50 = arith.index_cast %add3A_39 : i32 to index
      %swap3A_51 = tpu.vector_load %arg7[%swap3A_50] {strides = array<i32>} : memref<13312xi32, #tpu.memory_space<vmem>>, vector<16xi32>,
      %swap3A_52 = vector.shape_cast %swap3A_51 : vector<16xi32> to vector<16xi32>
      %swap3A_53 = vector.shape_cast %mul3A_49 : vector<16xi32> to vector<16xi32>
      tpu.vector_store %arg7[%swap3A_50], %swap3A_53 {strides = array<i32>} : memref<13312xi32, #tpu.memory_space<vmem>>, vector<16xi32>,
      %add3A_54 = arith.constant 1 : i32
      %add3A_55 = vector.broadcast %add3A_54 : i32 to vector<16xi32>
      %add3A_56 = arith.addi %mul3A_49, %add3A_55 : vector<16xi32>
      %swap3A_57 = arith.index_cast %add3A_39 : i32 to index
      %swap3A_58 = tpu.vector_load %arg8[%swap3A_57] {strides = array<i32>} : memref<13312xi32, #tpu.memory_space<vmem>>, vector<16xi32>,
      %swap3A_59 = vector.shape_cast %swap3A_58 : vector<16xi32> to vector<16xi32>
      %swap3A_60 = vector.shape_cast %add3A_56 : vector<16xi32> to vector<16xi32>
      tpu.vector_store %arg8[%swap3A_57], %swap3A_60 {strides = array<i32>} : memref<13312xi32, #tpu.memory_space<vmem>>, vector<16xi32>,
      %add3A_61 = arith.constant 32 : i32
      %add3A_62 = arith.addi %mul3A_16, %add3A_61 : i32
      %get3A_63 = arith.index_cast %add3A_62 : i32 to index
      %get3A_64 = tpu.vector_load %arg7[%get3A_63] {strides = array<i32>} : memref<13312xi32, #tpu.memory_space<vmem>>, vector<16xi32>,
      %get3A_65 = vector.shape_cast %get3A_64 : vector<16xi32> to vector<16xi32>
      %get3A_66 = arith.constant 32 : index
      %get3A_67 = tpu.vector_load %arg11[%get3A_66] {strides = array<i32>} : memref<208xi32, #tpu.memory_space<vmem>>, vector<16xi32>,
      %get3A_68 = vector.shape_cast %get3A_67 : vector<16xi32> to vector<16xi32>
      %add3A_69 = arith.addi %get3A_65, %get3A_68 : vector<16xi32>
      %mul3A_70 = arith.constant 2 : i32
      %mul3A_71 = vector.broadcast %mul3A_70 : i32 to vector<16xi32>
      %mul3A_72 = arith.muli %add3A_69, %mul3A_71 : vector<16xi32>
      %swap3A_73 = arith.index_cast %add3A_62 : i32 to index
      %swap3A_74 = tpu.vector_load %arg7[%swap3A_73] {strides = array<i32>} : memref<13312xi32, #tpu.memory_space<vmem>>, vector<16xi32>,
      %swap3A_75 = vector.shape_cast %swap3A_74 : vector<16xi32> to vector<16xi32>
      %swap3A_76 = vector.shape_cast %mul3A_72 : vector<16xi32> to vector<16xi32>
      tpu.vector_store %arg7[%swap3A_73], %swap3A_76 {strides = array<i32>} : memref<13312xi32, #tpu.memory_space<vmem>>, vector<16xi32>,
      %add3A_77 = arith.constant 1 : i32
      %add3A_78 = vector.broadcast %add3A_77 : i32 to vector<16xi32>
      %add3A_79 = arith.addi %mul3A_72, %add3A_78 : vector<16xi32>
      %swap3A_80 = arith.index_cast %add3A_62 : i32 to index
      %swap3A_81 = tpu.vector_load %arg8[%swap3A_80] {strides = array<i32>} : memref<13312xi32, #tpu.memory_space<vmem>>, vector<16xi32>,
      %swap3A_82 = vector.shape_cast %swap3A_81 : vector<16xi32> to vector<16xi32>
      %swap3A_83 = vector.shape_cast %add3A_79 : vector<16xi32> to vector<16xi32>
      tpu.vector_store %arg8[%swap3A_80], %swap3A_83 {strides = array<i32>} : memref<13312xi32, #tpu.memory_space<vmem>>, vector<16xi32>,
      %add3A_84 = arith.constant 48 : i32
      %add3A_85 = arith.addi %mul3A_16, %add3A_84 : i32
      %get3A_86 = arith.index_cast %add3A_85 : i32 to index
      %get3A_87 = tpu.vector_load %arg7[%get3A_86] {strides = array<i32>} : memref<13312xi32, #tpu.memory_space<vmem>>, vector<16xi32>,
      %get3A_88 = vector.shape_cast %get3A_87 : vector<16xi32> to vector<16xi32>
      %get3A_89 = arith.constant 48 : index
      %get3A_90 = tpu.vector_load %arg11[%get3A_89] {strides = array<i32>} : memref<208xi32, #tpu.memory_space<vmem>>, vector<16xi32>,
      %get3A_91 = vector.shape_cast %get3A_90 : vector<16xi32> to vector<16xi32>
      %add3A_92 = arith.addi %get3A_88, %get3A_91 : vector<16xi32>
      %mul3A_93 = arith.constant 2 : i32
      %mul3A_94 = vector.broadcast %mul3A_93 : i32 to vector<16xi32>
      %mul3A_95 = arith.muli %add3A_92, %mul3A_94 : vector<16xi32>
      %swap3A_96 = arith.index_cast %add3A_85 : i32 to index
      %swap3A_97 = tpu.vector_load %arg7[%swap3A_96] {strides = array<i32>} : memref<13312xi32, #tpu.memory_space<vmem>>, vector<16xi32>,
      %swap3A_98 = vector.shape_cast %swap3A_97 : vector<16xi32> to vector<16xi32>
      %swap3A_99 = vector.shape_cast %mul3A_95 : vector<16xi32> to vector<16xi32>
      tpu.vector_store %arg7[%swap3A_96], %swap3A_99 {strides = array<i32>} : memref<13312xi32, #tpu.memory_space<vmem>>, vector<16xi32>,
      %add3A_100 = arith.constant 1 : i32
      %add3A_101 = vector.broadcast %add3A_100 : i32 to vector<16xi32>
      %add3A_102 = arith.addi %mul3A_95, %add3A_101 : vector<16xi32>
      %swap3A_103 = arith.index_cast %add3A_85 : i32 to index
      %swap3A_104 = tpu.vector_load %arg8[%swap3A_103] {strides = array<i32>} : memref<13312xi32, #tpu.memory_space<vmem>>, vector<16xi32>,
      %swap3A_105 = vector.shape_cast %swap3A_104 : vector<16xi32> to vector<16xi32>
      %swap3A_106 = vector.shape_cast %add3A_102 : vector<16xi32> to vector<16xi32>
      tpu.vector_store %arg8[%swap3A_103], %swap3A_106 {strides = array<i32>} : memref<13312xi32, #tpu.memory_space<vmem>>, vector<16xi32>,
      %add3A_107 = arith.constant 64 : i32
      %add3A_108 = arith.addi %mul3A_16, %add3A_107 : i32
      %get3A_109 = arith.index_cast %add3A_108 : i32 to index
      %get3A_110 = tpu.vector_load %arg7[%get3A_109] {strides = array<i32>} : memref<13312xi32, #tpu.memory_space<vmem>>, vector<16xi32>,
      %get3A_111 = vector.shape_cast %get3A_110 : vector<16xi32> to vector<16xi32>
      %get3A_112 = arith.constant 64 : index
      %get3A_113 = tpu.vector_load %arg11[%get3A_112] {strides = array<i32>} : memref<208xi32, #tpu.memory_space<vmem>>, vector<16xi32>,
      %get3A_114 = vector.shape_cast %get3A_113 : vector<16xi32> to vector<16xi32>
      %add3A_115 = arith.addi %get3A_111, %get3A_114 : vector<16xi32>
      %mul3A_116 = arith.constant 2 : i32
      %mul3A_117 = vector.broadcast %mul3A_116 : i32 to vector<16xi32>
      %mul3A_118 = arith.muli %add3A_115, %mul3A_117 : vector<16xi32>
      %swap3A_119 = arith.index_cast %add3A_108 : i32 to index
      %swap3A_120 = tpu.vector_load %arg7[%swap3A_119] {strides = array<i32>} : memref<13312xi32, #tpu.memory_space<vmem>>, vector<16xi32>,
      %swap3A_121 = vector.shape_cast %swap3A_120 : vector<16xi32> to vector<16xi32>
      %swap3A_122 = vector.shape_cast %mul3A_118 : vector<16xi32> to vector<16xi32>
      tpu.vector_store %arg7[%swap3A_119], %swap3A_122 {strides = array<i32>} : memref<13312xi32, #tpu.memory_space<vmem>>, vector<16xi32>,
      %add3A_123 = arith.constant 1 : i32
      %add3A_124 = vector.broadcast %add3A_123 : i32 to vector<16xi32>
      %add3A_125 = arith.addi %mul3A_118, %add3A_124 : vector<16xi32>
      %swap3A_126 = arith.index_cast %add3A_108 : i32 to index
      %swap3A_127 = tpu.vector_load %arg8[%swap3A_126] {strides = array<i32>} : memref<13312xi32, #tpu.memory_space<vmem>>, vector<16xi32>,
      %swap3A_128 = vector.shape_cast %swap3A_127 : vector<16xi32> to vector<16xi32>
      %swap3A_129 = vector.shape_cast %add3A_125 : vector<16xi32> to vector<16xi32>
      tpu.vector_store %arg8[%swap3A_126], %swap3A_129 {strides = array<i32>} : memref<13312xi32, #tpu.memory_space<vmem>>, vector<16xi32>,
      %add3A_130 = arith.constant 80 : i32
      %add3A_131 = arith.addi %mul3A_16, %add3A_130 : i32
      %get3A_132 = arith.index_cast %add3A_131 : i32 to index
      %get3A_133 = tpu.vector_load %arg7[%get3A_132] {strides = array<i32>} : memref<13312xi32, #tpu.memory_space<vmem>>, vector<16xi32>,
      %get3A_134 = vector.shape_cast %get3A_133 : vector<16xi32> to vector<16xi32>
      %get3A_135 = arith.constant 80 : index
      %get3A_136 = tpu.vector_load %arg11[%get3A_135] {strides = array<i32>} : memref<208xi32, #tpu.memory_space<vmem>>, vector<16xi32>,
      %get3A_137 = vector.shape_cast %get3A_136 : vector<16xi32> to vector<16xi32>
      %add3A_138 = arith.addi %get3A_134, %get3A_137 : vector<16xi32>
      %mul3A_139 = arith.constant 2 : i32
      %mul3A_140 = vector.broadcast %mul3A_139 : i32 to vector<16xi32>
      %mul3A_141 = arith.muli %add3A_138, %mul3A_140 : vector<16xi32>
      %swap3A_142 = arith.index_cast %add3A_131 : i32 to index
      %swap3A_143 = tpu.vector_load %arg7[%swap3A_142] {strides = array<i32>} : memref<13312xi32, #tpu.memory_space<vmem>>, vector<16xi32>,
      %swap3A_144 = vector.shape_cast %swap3A_143 : vector<16xi32> to vector<16xi32>
      %swap3A_145 = vector.shape_cast %mul3A_141 : vector<16xi32> to vector<16xi32>
      tpu.vector_store %arg7[%swap3A_142], %swap3A_145 {strides = array<i32>} : memref<13312xi32, #tpu.memory_space<vmem>>, vector<16xi32>,
      %add3A_146 = arith.constant 1 : i32
      %add3A_147 = vector.broadcast %add3A_146 : i32 to vector<16xi32>
      %add3A_148 = arith.addi %mul3A_141, %add3A_147 : vector<16xi32>
      %swap3A_149 = arith.index_cast %add3A_131 : i32 to index
      %swap3A_150 = tpu.vector_load %arg8[%swap3A_149] {strides = array<i32>} : memref<13312xi32, #tpu.memory_space<vmem>>, vector<16xi32>,
      %swap3A_151 = vector.shape_cast %swap3A_150 : vector<16xi32> to vector<16xi32>
      %swap3A_152 = vector.shape_cast %add3A_148 : vector<16xi32> to vector<16xi32>
      tpu.vector_store %arg8[%swap3A_149], %swap3A_152 {strides = array<i32>} : memref<13312xi32, #tpu.memory_space<vmem>>, vector<16xi32>,
      %add3A_153 = arith.constant 96 : i32
      %add3A_154 = arith.addi %mul3A_16, %add3A_153 : i32
      %get3A_155 = arith.index_cast %add3A_154 : i32 to index
      %get3A_156 = tpu.vector_load %arg7[%get3A_155] {strides = array<i32>} : memref<13312xi32, #tpu.memory_space<vmem>>, vector<16xi32>,
      %get3A_157 = vector.shape_cast %get3A_156 : vector<16xi32> to vector<16xi32>
      %get3A_158 = arith.constant 96 : index
      %get3A_159 = tpu.vector_load %arg11[%get3A_158] {strides = array<i32>} : memref<208xi32, #tpu.memory_space<vmem>>, vector<16xi32>,
      %get3A_160 = vector.shape_cast %get3A_159 : vector<16xi32> to vector<16xi32>
      %add3A_161 = arith.addi %get3A_157, %get3A_160 : vector<16xi32>
      %mul3A_162 = arith.constant 2 : i32
      %mul3A_163 = vector.broadcast %mul3A_162 : i32 to vector<16xi32>
      %mul3A_164 = arith.muli %add3A_161, %mul3A_163 : vector<16xi32>
      %swap3A_165 = arith.index_cast %add3A_154 : i32 to index
      %swap3A_166 = tpu.vector_load %arg7[%swap3A_165] {strides = array<i32>} : memref<13312xi32, #tpu.memory_space<vmem>>, vector<16xi32>,
      %swap3A_167 = vector.shape_cast %swap3A_166 : vector<16xi32> to vector<16xi32>
      %swap3A_168 = vector.shape_cast %mul3A_164 : vector<16xi32> to vector<16xi32>
      tpu.vector_store %arg7[%swap3A_165], %swap3A_168 {strides = array<i32>} : memref<13312xi32, #tpu.memory_space<vmem>>, vector<16xi32>,
      %add3A_169 = arith.constant 1 : i32
      %add3A_170 = vector.broadcast %add3A_169 : i32 to vector<16xi32>
      %add3A_171 = arith.addi %mul3A_164, %add3A_170 : vector<16xi32>
      %swap3A_172 = arith.index_cast %add3A_154 : i32 to index
      %swap3A_173 = tpu.vector_load %arg8[%swap3A_172] {strides = array<i32>} : memref<13312xi32, #tpu.memory_space<vmem>>, vector<16xi32>,
      %swap3A_174 = vector.shape_cast %swap3A_173 : vector<16xi32> to vector<16xi32>
      %swap3A_175 = vector.shape_cast %add3A_171 : vector<16xi32> to vector<16xi32>
      tpu.vector_store %arg8[%swap3A_172], %swap3A_175 {strides = array<i32>} : memref<13312xi32, #tpu.memory_space<vmem>>, vector<16xi32>,
      %add3A_176 = arith.constant 112 : i32
      %add3A_177 = arith.addi %mul3A_16, %add3A_176 : i32
      %get3A_178 = arith.index_cast %add3A_177 : i32 to index
      %get3A_179 = tpu.vector_load %arg7[%get3A_178] {strides = array<i32>} : memref<13312xi32, #tpu.memory_space<vmem>>, vector<16xi32>,
      %get3A_180 = vector.shape_cast %get3A_179 : vector<16xi32> to vector<16xi32>
      %get3A_181 = arith.constant 112 : index
      %get3A_182 = tpu.vector_load %arg11[%get3A_181] {strides = array<i32>} : memref<208xi32, #tpu.memory_space<vmem>>, vector<16xi32>,
      %get3A_183 = vector.shape_cast %get3A_182 : vector<16xi32> to vector<16xi32>
      %add3A_184 = arith.addi %get3A_180, %get3A_183 : vector<16xi32>
      %mul3A_185 = arith.constant 2 : i32
      %mul3A_186 = vector.broadcast %mul3A_185 : i32 to vector<16xi32>
      %mul3A_187 = arith.muli %add3A_184, %mul3A_186 : vector<16xi32>
      %swap3A_188 = arith.index_cast %add3A_177 : i32 to index
      %swap3A_189 = tpu.vector_load %arg7[%swap3A_188] {strides = array<i32>} : memref<13312xi32, #tpu.memory_space<vmem>>, vector<16xi32>,
      %swap3A_190 = vector.shape_cast %swap3A_189 : vector<16xi32> to vector<16xi32>
      %swap3A_191 = vector.shape_cast %mul3A_187 : vector<16xi32> to vector<16xi32>
      tpu.vector_store %arg7[%swap3A_188], %swap3A_191 {strides = array<i32>} : memref<13312xi32, #tpu.memory_space<vmem>>, vector<16xi32>,
      %add3A_192 = arith.constant 1 : i32
      %add3A_193 = vector.broadcast %add3A_192 : i32 to vector<16xi32>
      %add3A_194 = arith.addi %mul3A_187, %add3A_193 : vector<16xi32>
      %swap3A_195 = arith.index_cast %add3A_177 : i32 to index
      %swap3A_196 = tpu.vector_load %arg8[%swap3A_195] {strides = array<i32>} : memref<13312xi32, #tpu.memory_space<vmem>>, vector<16xi32>,
      %swap3A_197 = vector.shape_cast %swap3A_196 : vector<16xi32> to vector<16xi32>
      %swap3A_198 = vector.shape_cast %add3A_194 : vector<16xi32> to vector<16xi32>
      tpu.vector_store %arg8[%swap3A_195], %swap3A_198 {strides = array<i32>} : memref<13312xi32, #tpu.memory_space<vmem>>, vector<16xi32>,
      %add3A_199 = arith.constant 128 : i32
      %add3A_200 = arith.addi %mul3A_16, %add3A_199 : i32
      %get3A_201 = arith.index_cast %add3A_200 : i32 to index
      %get3A_202 = tpu.vector_load %arg7[%get3A_201] {strides = array<i32>} : memref<13312xi32, #tpu.memory_space<vmem>>, vector<16xi32>,
      %get3A_203 = vector.shape_cast %get3A_202 : vector<16xi32> to vector<16xi32>
      %get3A_204 = arith.constant 128 : index
      %get3A_205 = tpu.vector_load %arg11[%get3A_204] {strides = array<i32>} : memref<208xi32, #tpu.memory_space<vmem>>, vector<16xi32>,
      %get3A_206 = vector.shape_cast %get3A_205 : vector<16xi32> to vector<16xi32>
      %add3A_207 = arith.addi %get3A_203, %get3A_206 : vector<16xi32>
      %mul3A_208 = arith.constant 2 : i32
      %mul3A_209 = vector.broadcast %mul3A_208 : i32 to vector<16xi32>
      %mul3A_210 = arith.muli %add3A_207, %mul3A_209 : vector<16xi32>
      %swap3A_211 = arith.index_cast %add3A_200 : i32 to index
      %swap3A_212 = tpu.vector_load %arg7[%swap3A_211] {strides = array<i32>} : memref<13312xi32, #tpu.memory_space<vmem>>, vector<16xi32>,
      %swap3A_213 = vector.shape_cast %swap3A_212 : vector<16xi32> to vector<16xi32>
      %swap3A_214 = vector.shape_cast %mul3A_210 : vector<16xi32> to vector<16xi32>
      tpu.vector_store %arg7[%swap3A_211], %swap3A_214 {strides = array<i32>} : memref<13312xi32, #tpu.memory_space<vmem>>, vector<16xi32>,
      %add3A_215 = arith.constant 1 : i32
      %add3A_216 = vector.broadcast %add3A_215 : i32 to vector<16xi32>
      %add3A_217 = arith.addi %mul3A_210, %add3A_216 : vector<16xi32>
      %swap3A_218 = arith.index_cast %add3A_200 : i32 to index
      %swap3A_219 = tpu.vector_load %arg8[%swap3A_218] {strides = array<i32>} : memref<13312xi32, #tpu.memory_space<vmem>>, vector<16xi32>,
      %swap3A_220 = vector.shape_cast %swap3A_219 : vector<16xi32> to vector<16xi32>
      %swap3A_221 = vector.shape_cast %add3A_217 : vector<16xi32> to vector<16xi32>
      tpu.vector_store %arg8[%swap3A_218], %swap3A_221 {strides = array<i32>} : memref<13312xi32, #tpu.memory_space<vmem>>, vector<16xi32>,
      %add3A_222 = arith.constant 144 : i32
      %add3A_223 = arith.addi %mul3A_16, %add3A_222 : i32
      %get3A_224 = arith.index_cast %add3A_223 : i32 to index
      %get3A_225 = tpu.vector_load %arg7[%get3A_224] {strides = array<i32>} : memref<13312xi32, #tpu.memory_space<vmem>>, vector<16xi32>,
      %get3A_226 = vector.shape_cast %get3A_225 : vector<16xi32> to vector<16xi32>
      %get3A_227 = arith.constant 144 : index
      %get3A_228 = tpu.vector_load %arg11[%get3A_227] {strides = array<i32>} : memref<208xi32, #tpu.memory_space<vmem>>, vector<16xi32>,
      %get3A_229 = vector.shape_cast %get3A_228 : vector<16xi32> to vector<16xi32>
      %add3A_230 = arith.addi %get3A_226, %get3A_229 : vector<16xi32>
      %mul3A_231 = arith.constant 2 : i32
      %mul3A_232 = vector.broadcast %mul3A_231 : i32 to vector<16xi32>
      %mul3A_233 = arith.muli %add3A_230, %mul3A_232 : vector<16xi32>
      %swap3A_234 = arith.index_cast %add3A_223 : i32 to index
      %swap3A_235 = tpu.vector_load %arg7[%swap3A_234] {strides = array<i32>} : memref<13312xi32, #tpu.memory_space<vmem>>, vector<16xi32>,
      %swap3A_236 = vector.shape_cast %swap3A_235 : vector<16xi32> to vector<16xi32>
      %swap3A_237 = vector.shape_cast %mul3A_233 : vector<16xi32> to vector<16xi32>
      tpu.vector_store %arg7[%swap3A_234], %swap3A_237 {strides = array<i32>} : memref<13312xi32, #tpu.memory_space<vmem>>, vector<16xi32>,
      %add3A_238 = arith.constant 1 : i32
      %add3A_239 = vector.broadcast %add3A_238 : i32 to vector<16xi32>
      %add3A_240 = arith.addi %mul3A_233, %add3A_239 : vector<16xi32>
      %swap3A_241 = arith.index_cast %add3A_223 : i32 to index
      %swap3A_242 = tpu.vector_load %arg8[%swap3A_241] {strides = array<i32>} : memref<13312xi32, #tpu.memory_space<vmem>>, vector<16xi32>,
      %swap3A_243 = vector.shape_cast %swap3A_242 : vector<16xi32> to vector<16xi32>
      %swap3A_244 = vector.shape_cast %add3A_240 : vector<16xi32> to vector<16xi32>
      tpu.vector_store %arg8[%swap3A_241], %swap3A_244 {strides = array<i32>} : memref<13312xi32, #tpu.memory_space<vmem>>, vector<16xi32>,
      %add3A_245 = arith.constant 160 : i32
      %add3A_246 = arith.addi %mul3A_16, %add3A_245 : i32
      %get3A_247 = arith.index_cast %add3A_246 : i32 to index
      %get3A_248 = tpu.vector_load %arg7[%get3A_247] {strides = array<i32>} : memref<13312xi32, #tpu.memory_space<vmem>>, vector<16xi32>,
      %get3A_249 = vector.shape_cast %get3A_248 : vector<16xi32> to vector<16xi32>
      %get3A_250 = arith.constant 160 : index
      %get3A_251 = tpu.vector_load %arg11[%get3A_250] {strides = array<i32>} : memref<208xi32, #tpu.memory_space<vmem>>, vector<16xi32>,
      %get3A_252 = vector.shape_cast %get3A_251 : vector<16xi32> to vector<16xi32>
      %add3A_253 = arith.addi %get3A_249, %get3A_252 : vector<16xi32>
      %mul3A_254 = arith.constant 2 : i32
      %mul3A_255 = vector.broadcast %mul3A_254 : i32 to vector<16xi32>
      %mul3A_256 = arith.muli %add3A_253, %mul3A_255 : vector<16xi32>
      %swap3A_257 = arith.index_cast %add3A_246 : i32 to index
      %swap3A_258 = tpu.vector_load %arg7[%swap3A_257] {strides = array<i32>} : memref<13312xi32, #tpu.memory_space<vmem>>, vector<16xi32>,
      %swap3A_259 = vector.shape_cast %swap3A_258 : vector<16xi32> to vector<16xi32>
      %swap3A_260 = vector.shape_cast %mul3A_256 : vector<16xi32> to vector<16xi32>
      tpu.vector_store %arg7[%swap3A_257], %swap3A_260 {strides = array<i32>} : memref<13312xi32, #tpu.memory_space<vmem>>, vector<16xi32>,
      %add3A_261 = arith.constant 1 : i32
      %add3A_262 = vector.broadcast %add3A_261 : i32 to vector<16xi32>
      %add3A_263 = arith.addi %mul3A_256, %add3A_262 : vector<16xi32>
      %swap3A_264 = arith.index_cast %add3A_246 : i32 to index
      %swap3A_265 = tpu.vector_load %arg8[%swap3A_264] {strides = array<i32>} : memref<13312xi32, #tpu.memory_space<vmem>>, vector<16xi32>,
      %swap3A_266 = vector.shape_cast %swap3A_265 : vector<16xi32> to vector<16xi32>
      %swap3A_267 = vector.shape_cast %add3A_263 : vector<16xi32> to vector<16xi32>
      tpu.vector_store %arg8[%swap3A_264], %swap3A_267 {strides = array<i32>} : memref<13312xi32, #tpu.memory_space<vmem>>, vector<16xi32>,
      %add3A_268 = arith.constant 176 : i32
      %add3A_269 = arith.addi %mul3A_16, %add3A_268 : i32
      %get3A_270 = arith.index_cast %add3A_269 : i32 to index
      %get3A_271 = tpu.vector_load %arg7[%get3A_270] {strides = array<i32>} : memref<13312xi32, #tpu.memory_space<vmem>>, vector<16xi32>,
      %get3A_272 = vector.shape_cast %get3A_271 : vector<16xi32> to vector<16xi32>
      %get3A_273 = arith.constant 176 : index
      %get3A_274 = tpu.vector_load %arg11[%get3A_273] {strides = array<i32>} : memref<208xi32, #tpu.memory_space<vmem>>, vector<16xi32>,
      %get3A_275 = vector.shape_cast %get3A_274 : vector<16xi32> to vector<16xi32>
      %add3A_276 = arith.addi %get3A_272, %get3A_275 : vector<16xi32>
      %mul3A_277 = arith.constant 2 : i32
      %mul3A_278 = vector.broadcast %mul3A_277 : i32 to vector<16xi32>
      %mul3A_279 = arith.muli %add3A_276, %mul3A_278 : vector<16xi32>
      %swap3A_280 = arith.index_cast %add3A_269 : i32 to index
      %swap3A_281 = tpu.vector_load %arg7[%swap3A_280] {strides = array<i32>} : memref<13312xi32, #tpu.memory_space<vmem>>, vector<16xi32>,
      %swap3A_282 = vector.shape_cast %swap3A_281 : vector<16xi32> to vector<16xi32>
      %swap3A_283 = vector.shape_cast %mul3A_279 : vector<16xi32> to vector<16xi32>
      tpu.vector_store %arg7[%swap3A_280], %swap3A_283 {strides = array<i32>} : memref<13312xi32, #tpu.memory_space<vmem>>, vector<16xi32>,
      %add3A_284 = arith.constant 1 : i32
      %add3A_285 = vector.broadcast %add3A_284 : i32 to vector<16xi32>
      %add3A_286 = arith.addi %mul3A_279, %add3A_285 : vector<16xi32>
      %swap3A_287 = arith.index_cast %add3A_269 : i32 to index
      %swap3A_288 = tpu.vector_load %arg8[%swap3A_287] {strides = array<i32>} : memref<13312xi32, #tpu.memory_space<vmem>>, vector<16xi32>,
      %swap3A_289 = vector.shape_cast %swap3A_288 : vector<16xi32> to vector<16xi32>
      %swap3A_290 = vector.shape_cast %add3A_286 : vector<16xi32> to vector<16xi32>
      tpu.vector_store %arg8[%swap3A_287], %swap3A_290 {strides = array<i32>} : memref<13312xi32, #tpu.memory_space<vmem>>, vector<16xi32>,
      %add3A_291 = arith.constant 192 : i32
      %add3A_292 = arith.addi %mul3A_16, %add3A_291 : i32
      %get3A_293 = arith.index_cast %add3A_292 : i32 to index
      %get3A_294 = tpu.vector_load %arg7[%get3A_293] {strides = array<i32>} : memref<13312xi32, #tpu.memory_space<vmem>>, vector<16xi32>,
      %get3A_295 = vector.shape_cast %get3A_294 : vector<16xi32> to vector<16xi32>
      %get3A_296 = arith.constant 192 : index
      %get3A_297 = tpu.vector_load %arg11[%get3A_296] {strides = array<i32>} : memref<208xi32, #tpu.memory_space<vmem>>, vector<16xi32>,
      %get3A_298 = vector.shape_cast %get3A_297 : vector<16xi32> to vector<16xi32>
      %add3A_299 = arith.addi %get3A_295, %get3A_298 : vector<16xi32>
      %mul3A_300 = arith.constant 2 : i32
      %mul3A_301 = vector.broadcast %mul3A_300 : i32 to vector<16xi32>
      %mul3A_302 = arith.muli %add3A_299, %mul3A_301 : vector<16xi32>
      %swap3A_303 = arith.index_cast %add3A_292 : i32 to index
      %swap3A_304 = tpu.vector_load %arg7[%swap3A_303] {strides = array<i32>} : memref<13312xi32, #tpu.memory_space<vmem>>, vector<16xi32>,
      %swap3A_305 = vector.shape_cast %swap3A_304 : vector<16xi32> to vector<16xi32>
      %swap3A_306 = vector.shape_cast %mul3A_302 : vector<16xi32> to vector<16xi32>
      tpu.vector_store %arg7[%swap3A_303], %swap3A_306 {strides = array<i32>} : memref<13312xi32, #tpu.memory_space<vmem>>, vector<16xi32>,
      %add3A_307 = arith.constant 1 : i32
      %add3A_308 = vector.broadcast %add3A_307 : i32 to vector<16xi32>
      %add3A_309 = arith.addi %mul3A_302, %add3A_308 : vector<16xi32>
      %swap3A_310 = arith.index_cast %add3A_292 : i32 to index
      %swap3A_311 = tpu.vector_load %arg8[%swap3A_310] {strides = array<i32>} : memref<13312xi32, #tpu.memory_space<vmem>>, vector<16xi32>,
      %swap3A_312 = vector.shape_cast %swap3A_311 : vector<16xi32> to vector<16xi32>
      %swap3A_313 = vector.shape_cast %add3A_309 : vector<16xi32> to vector<16xi32>
      tpu.vector_store %arg8[%swap3A_310], %swap3A_313 {strides = array<i32>} : memref<13312xi32, #tpu.memory_space<vmem>>, vector<16xi32>,
    }
    %scan3A_7 = arith.constant 64 : i32
    %dma_start3A = arith.constant 0 : i32
    %dma_start3A_8 = tpu.memref_slice %arg2[%dma_start3A] : memref<5200000xf32, #tpu.memory_space<hbm>> -> memref<5200000xf32, #tpu.memory_space<hbm>>
    tpu.enqueue_indirect_dma source(%dma_start3A_8 : memref<5200000xf32, #tpu.memory_space<hbm>>) target(%arg9 : memref<13312xf32, #tpu.memory_space<vmem>>) offsets(%arg7 : memref<13312xi32, #tpu.memory_space<vmem>>) semaphore(%arg12 : memref<!tpu.dma_semaphore, #tpu.memory_space<semaphore_mem>>)
    %dma_start3A_9 = arith.constant 0 : i32
    %dma_start3A_10 = tpu.memref_slice %arg2[%dma_start3A_9] : memref<5200000xf32, #tpu.memory_space<hbm>> -> memref<5200000xf32, #tpu.memory_space<hbm>>
    tpu.enqueue_indirect_dma source(%dma_start3A_10 : memref<5200000xf32, #tpu.memory_space<hbm>>) target(%arg10 : memref<13312xf32, #tpu.memory_space<vmem>>) offsets(%arg8 : memref<13312xi32, #tpu.memory_space<vmem>>) semaphore(%arg12 : memref<!tpu.dma_semaphore, #tpu.memory_space<semaphore_mem>>)
    %dma_wait3A = arith.constant 0 : i32
    %dma_wait3A_11 = tpu.memref_slice %arg2[%dma_wait3A] : memref<5200000xf32, #tpu.memory_space<hbm>> -> memref<5200000xf32, #tpu.memory_space<hbm>>
    tpu.wait_indirect_dma semaphore(%arg12 : memref<!tpu.dma_semaphore, #tpu.memory_space<semaphore_mem>>) src(%dma_wait3A_11 : memref<5200000xf32, #tpu.memory_space<hbm>>) dst(%arg9 : memref<13312xf32, #tpu.memory_space<vmem>>)
    %dma_wait3A_12 = arith.constant 0 : i32
    %dma_wait3A_13 = tpu.memref_slice %arg2[%dma_wait3A_12] : memref<5200000xf32, #tpu.memory_space<hbm>> -> memref<5200000xf32, #tpu.memory_space<hbm>>
    tpu.wait_indirect_dma semaphore(%arg12 : memref<!tpu.dma_semaphore, #tpu.memory_space<semaphore_mem>>) src(%dma_wait3A_13 : memref<5200000xf32, #tpu.memory_space<hbm>>) dst(%arg10 : memref<13312xf32, #tpu.memory_space<vmem>>)
    "tpu.region"() ({
      %run_scoped3A = tpu.sem_alloc : memref<!tpu.dma_semaphore, #tpu.memory_space<semaphore_mem>>
      %dma_start3A_14 = tpu.memref_slice %arg5[%mul3A_2] : memref<425984xf32, #tpu.memory_space<hbm>> -> memref<13312xf32, #tpu.memory_space<hbm>>
      %dma_start3A_15 = tpu.memref_slice %arg5[%mul3A_2] : memref<425984xf32, #tpu.memory_space<hbm>> -> memref<13312xf32, #tpu.memory_space<hbm>>
      tpu.enqueue_dma source(%arg9 : memref<13312xf32, #tpu.memory_space<vmem>>) target(%dma_start3A_15 : memref<13312xf32, #tpu.memory_space<hbm>>) target_semaphore(%run_scoped3A : memref<!tpu.dma_semaphore, #tpu.memory_space<semaphore_mem>>)
      %dma_wait3A_16 = tpu.memref_slice %arg5[%mul3A_2] : memref<425984xf32, #tpu.memory_space<hbm>> -> memref<13312xf32, #tpu.memory_space<hbm>>
      %dma_wait3A_17 = tpu.memref_slice %arg5[%mul3A_2] : memref<425984xf32, #tpu.memory_space<hbm>> -> memref<13312xf32, #tpu.memory_space<hbm>>
      tpu.wait_dma2 semaphore(%run_scoped3A : memref<!tpu.dma_semaphore, #tpu.memory_space<semaphore_mem>>) src(%arg9 : memref<13312xf32, #tpu.memory_space<vmem>>) dst(%dma_wait3A_17 : memref<13312xf32, #tpu.memory_space<hbm>>)
      tpu.yield
    }) : () -> ()
    "tpu.region"() ({
      %run_scoped3A = tpu.sem_alloc : memref<!tpu.dma_semaphore, #tpu.memory_space<semaphore_mem>>
      %dma_start3A_14 = tpu.memref_slice %arg6[%mul3A_2] : memref<425984xf32, #tpu.memory_space<hbm>> -> memref<13312xf32, #tpu.memory_space<hbm>>
      %dma_start3A_15 = tpu.memref_slice %arg6[%mul3A_2] : memref<425984xf32, #tpu.memory_space<hbm>> -> memref<13312xf32, #tpu.memory_space<hbm>>
      tpu.enqueue_dma source(%arg10 : memref<13312xf32, #tpu.memory_space<vmem>>) target(%dma_start3A_15 : memref<13312xf32, #tpu.memory_space<hbm>>) target_semaphore(%run_scoped3A : memref<!tpu.dma_semaphore, #tpu.memory_space<semaphore_mem>>)
      %dma_wait3A_16 = tpu.memref_slice %arg6[%mul3A_2] : memref<425984xf32, #tpu.memory_space<hbm>> -> memref<13312xf32, #tpu.memory_space<hbm>>
      %dma_wait3A_17 = tpu.memref_slice %arg6[%mul3A_2] : memref<425984xf32, #tpu.memory_space<hbm>> -> memref<13312xf32, #tpu.memory_space<hbm>>
      tpu.wait_dma2 semaphore(%run_scoped3A : memref<!tpu.dma_semaphore, #tpu.memory_space<semaphore_mem>>) src(%arg10 : memref<13312xf32, #tpu.memory_space<vmem>>) dst(%dma_wait3A_17 : memref<13312xf32, #tpu.memory_space<hbm>>)
      tpu.yield
    }) : () -> ()
    return
  }
}

module attributes {stable_mosaic.version = 14 : i64} {
  func.func @_mlp_body(%arg0: i32, %arg1: memref<4096x13xf32, #tpu.memory_space<vmem>>, %arg2: memref<4096x26xf32, #tpu.memory_space<vmem>>, %arg3: memref<4096x26xf32, #tpu.memory_space<vmem>>, %arg4: memref<13x3xf32, #tpu.memory_space<vmem>>, %arg5: memref<1x3xf32, #tpu.memory_space<vmem>>, %arg6: memref<3x2xf32, #tpu.memory_space<vmem>>, %arg7: memref<1x2xf32, #tpu.memory_space<vmem>>, %arg8: memref<2x4xf32, #tpu.memory_space<vmem>>, %arg9: memref<26x4xf32, #tpu.memory_space<vmem>>, %arg10: memref<26x4xf32, #tpu.memory_space<vmem>>, %arg11: memref<1x4xf32, #tpu.memory_space<vmem>>, %arg12: memref<4x2xf32, #tpu.memory_space<vmem>>, %arg13: memref<1x2xf32, #tpu.memory_space<vmem>>, %arg14: memref<2x1xf32, #tpu.memory_space<vmem>>, %arg15: memref<1x1xf32, #tpu.memory_space<vmem>>, %arg16: memref<4096x1xf32, #tpu.memory_space<vmem>>) attributes {dimension_semantics = [#tpu.dimension_semantics<arbitrary>], iteration_bounds = array<i64: 4>, scalar_prefetch = 0 : i64, scratch_operands = 0 : i64, tpu.core_type = #tpu.core_type<tc>, window_params = [{transform_indices = @transform_0, window_bounds = array<i64: 4096, 13>}, {transform_indices = @transform_1, window_bounds = array<i64: 4096, 26>}, {transform_indices = @transform_2, window_bounds = array<i64: 4096, 26>}, {pipeline_mode = #tpu.pipeline_mode<synchronous>, transform_indices = @transform_3, window_bounds = array<i64: 13, 3>}, {pipeline_mode = #tpu.pipeline_mode<synchronous>, transform_indices = @transform_4, window_bounds = array<i64: 1, 3>}, {pipeline_mode = #tpu.pipeline_mode<synchronous>, transform_indices = @transform_5, window_bounds = array<i64: 3, 2>}, {pipeline_mode = #tpu.pipeline_mode<synchronous>, transform_indices = @transform_6, window_bounds = array<i64: 1, 2>}, {pipeline_mode = #tpu.pipeline_mode<synchronous>, transform_indices = @transform_7, window_bounds = array<i64: 2, 4>}, {pipeline_mode = #tpu.pipeline_mode<synchronous>, transform_indices = @transform_8, window_bounds = array<i64: 26, 4>}, {pipeline_mode = #tpu.pipeline_mode<synchronous>, transform_indices = @transform_9, window_bounds = array<i64: 26, 4>}, {pipeline_mode = #tpu.pipeline_mode<synchronous>, transform_indices = @transform_10, window_bounds = array<i64: 1, 4>}, {pipeline_mode = #tpu.pipeline_mode<synchronous>, transform_indices = @transform_11, window_bounds = array<i64: 4, 2>}, {pipeline_mode = #tpu.pipeline_mode<synchronous>, transform_indices = @transform_12, window_bounds = array<i64: 1, 2>}, {pipeline_mode = #tpu.pipeline_mode<synchronous>, transform_indices = @transform_13, window_bounds = array<i64: 2, 1>}, {pipeline_mode = #tpu.pipeline_mode<synchronous>, transform_indices = @transform_14, window_bounds = array<i64: 1, 1>}, {transform_indices = @transform_15, window_bounds = array<i64: 4096, 1>}]} {
    %get3A = arith.constant 0 : index
    %get3A_0 = arith.constant 0 : index
    %get3A_1 = vector.load %arg1[%get3A, %get3A_0] : memref<4096x13xf32, #tpu.memory_space<vmem>>, vector<4096x13xf32>
    %get3A_2 = arith.constant 0 : index
    %get3A_3 = arith.constant 0 : index
    %get3A_4 = vector.load %arg4[%get3A_2, %get3A_3] : memref<13x3xf32, #tpu.memory_space<vmem>>, vector<13x3xf32>
    %dot_general3A = arith.constant dense<0.000000e+00> : vector<4096x3xf32>
    %dot_general3A_5 = tpu.matmul %get3A_1, %get3A_4, %dot_general3A {dimension_numbers = #tpu.dot_dimension_numbers<[1], [0], [0], [1], [0, 0, 1, 1], [], []>, transpose_lhs_hint = false} : vector<4096x13xf32>, vector<13x3xf32>, vector<4096x3xf32> -> vector<4096x3xf32>
    %get3A_6 = arith.constant 0 : index
    %get3A_7 = arith.constant 0 : index
    %get3A_8 = vector.load %arg5[%get3A_6, %get3A_7] : memref<1x3xf32, #tpu.memory_space<vmem>>, vector<1x3xf32>
    %add3A = vector.broadcast %get3A_8 : vector<1x3xf32> to vector<4096x3xf32>
    %add3A_9 = arith.addf %dot_general3A_5, %add3A : vector<4096x3xf32>
    %max3A = arith.constant 0.000000e+00 : f32
    %max3A_10 = vector.broadcast %max3A : f32 to vector<4096x3xf32>
    %max3A_11 = arith.maximumf %add3A_9, %max3A_10 : vector<4096x3xf32>
    %get3A_12 = arith.constant 0 : index
    %get3A_13 = arith.constant 0 : index
    %get3A_14 = vector.load %arg6[%get3A_12, %get3A_13] : memref<3x2xf32, #tpu.memory_space<vmem>>, vector<3x2xf32>
    %dot_general3A_15 = arith.constant dense<0.000000e+00> : vector<4096x2xf32>
    %dot_general3A_16 = tpu.matmul %max3A_11, %get3A_14, %dot_general3A_15 {dimension_numbers = #tpu.dot_dimension_numbers<[1], [0], [0], [1], [0, 0, 1, 1], [], []>, transpose_lhs_hint = false} : vector<4096x3xf32>, vector<3x2xf32>, vector<4096x2xf32> -> vector<4096x2xf32>
    %get3A_17 = arith.constant 0 : index
    %get3A_18 = arith.constant 0 : index
    %get3A_19 = vector.load %arg7[%get3A_17, %get3A_18] : memref<1x2xf32, #tpu.memory_space<vmem>>, vector<1x2xf32>
    %add3A_20 = vector.broadcast %get3A_19 : vector<1x2xf32> to vector<4096x2xf32>
    %add3A_21 = arith.addf %dot_general3A_16, %add3A_20 : vector<4096x2xf32>
    %max3A_22 = arith.constant 0.000000e+00 : f32
    %max3A_23 = vector.broadcast %max3A_22 : f32 to vector<4096x2xf32>
    %max3A_24 = arith.maximumf %add3A_21, %max3A_23 : vector<4096x2xf32>
    %get3A_25 = arith.constant 0 : index
    %get3A_26 = arith.constant 0 : index
    %get3A_27 = vector.load %arg8[%get3A_25, %get3A_26] : memref<2x4xf32, #tpu.memory_space<vmem>>, vector<2x4xf32>
    %dot_general3A_28 = arith.constant dense<0.000000e+00> : vector<4096x4xf32>
    %dot_general3A_29 = tpu.matmul %max3A_24, %get3A_27, %dot_general3A_28 {dimension_numbers = #tpu.dot_dimension_numbers<[1], [0], [0], [1], [0, 0, 1, 1], [], []>, transpose_lhs_hint = false} : vector<4096x2xf32>, vector<2x4xf32>, vector<4096x4xf32> -> vector<4096x4xf32>
    %get3A_30 = arith.constant 0 : index
    %get3A_31 = arith.constant 0 : index
    %get3A_32 = vector.load %arg2[%get3A_30, %get3A_31] : memref<4096x26xf32, #tpu.memory_space<vmem>>, vector<4096x26xf32>
    %get3A_33 = arith.constant 0 : index
    %get3A_34 = arith.constant 0 : index
    %get3A_35 = vector.load %arg9[%get3A_33, %get3A_34] : memref<26x4xf32, #tpu.memory_space<vmem>>, vector<26x4xf32>
    %dot_general3A_36 = arith.constant dense<0.000000e+00> : vector<4096x4xf32>
    %dot_general3A_37 = tpu.matmul %get3A_32, %get3A_35, %dot_general3A_36 {dimension_numbers = #tpu.dot_dimension_numbers<[1], [0], [0], [1], [0, 0, 1, 1], [], []>, transpose_lhs_hint = false} : vector<4096x26xf32>, vector<26x4xf32>, vector<4096x4xf32> -> vector<4096x4xf32>
    %add3A_38 = arith.addf %dot_general3A_29, %dot_general3A_37 : vector<4096x4xf32>
    %get3A_39 = arith.constant 0 : index
    %get3A_40 = arith.constant 0 : index
    %get3A_41 = vector.load %arg3[%get3A_39, %get3A_40] : memref<4096x26xf32, #tpu.memory_space<vmem>>, vector<4096x26xf32>
    %get3A_42 = arith.constant 0 : index
    %get3A_43 = arith.constant 0 : index
    %get3A_44 = vector.load %arg10[%get3A_42, %get3A_43] : memref<26x4xf32, #tpu.memory_space<vmem>>, vector<26x4xf32>
    %dot_general3A_45 = arith.constant dense<0.000000e+00> : vector<4096x4xf32>
    %dot_general3A_46 = tpu.matmul %get3A_41, %get3A_44, %dot_general3A_45 {dimension_numbers = #tpu.dot_dimension_numbers<[1], [0], [0], [1], [0, 0, 1, 1], [], []>, transpose_lhs_hint = false} : vector<4096x26xf32>, vector<26x4xf32>, vector<4096x4xf32> -> vector<4096x4xf32>
    %add3A_47 = arith.addf %add3A_38, %dot_general3A_46 : vector<4096x4xf32>
    %get3A_48 = arith.constant 0 : index
    %get3A_49 = arith.constant 0 : index
    %get3A_50 = vector.load %arg11[%get3A_48, %get3A_49] : memref<1x4xf32, #tpu.memory_space<vmem>>, vector<1x4xf32>
    %add3A_51 = vector.broadcast %get3A_50 : vector<1x4xf32> to vector<4096x4xf32>
    %add3A_52 = arith.addf %add3A_47, %add3A_51 : vector<4096x4xf32>
    %max3A_53 = arith.constant 0.000000e+00 : f32
    %max3A_54 = vector.broadcast %max3A_53 : f32 to vector<4096x4xf32>
    %max3A_55 = arith.maximumf %add3A_52, %max3A_54 : vector<4096x4xf32>
    %get3A_56 = arith.constant 0 : index
    %get3A_57 = arith.constant 0 : index
    %get3A_58 = vector.load %arg12[%get3A_56, %get3A_57] : memref<4x2xf32, #tpu.memory_space<vmem>>, vector<4x2xf32>
    %dot_general3A_59 = arith.constant dense<0.000000e+00> : vector<4096x2xf32>
    %dot_general3A_60 = tpu.matmul %max3A_55, %get3A_58, %dot_general3A_59 {dimension_numbers = #tpu.dot_dimension_numbers<[1], [0], [0], [1], [0, 0, 1, 1], [], []>, transpose_lhs_hint = false} : vector<4096x4xf32>, vector<4x2xf32>, vector<4096x2xf32> -> vector<4096x2xf32>
    %get3A_61 = arith.constant 0 : index
    %get3A_62 = arith.constant 0 : index
    %get3A_63 = vector.load %arg13[%get3A_61, %get3A_62] : memref<1x2xf32, #tpu.memory_space<vmem>>, vector<1x2xf32>
    %add3A_64 = vector.broadcast %get3A_63 : vector<1x2xf32> to vector<4096x2xf32>
    %add3A_65 = arith.addf %dot_general3A_60, %add3A_64 : vector<4096x2xf32>
    %max3A_66 = arith.constant 0.000000e+00 : f32
    %max3A_67 = vector.broadcast %max3A_66 : f32 to vector<4096x2xf32>
    %max3A_68 = arith.maximumf %add3A_65, %max3A_67 : vector<4096x2xf32>
    %get3A_69 = arith.constant 0 : index
    %get3A_70 = arith.constant 0 : index
    %get3A_71 = vector.load %arg14[%get3A_69, %get3A_70] : memref<2x1xf32, #tpu.memory_space<vmem>>, vector<2x1xf32>
    %dot_general3A_72 = arith.constant dense<0.000000e+00> : vector<4096x1xf32>
    %dot_general3A_73 = tpu.matmul %max3A_68, %get3A_71, %dot_general3A_72 {dimension_numbers = #tpu.dot_dimension_numbers<[1], [0], [0], [1], [0, 0, 1, 1], [], []>, transpose_lhs_hint = false} : vector<4096x2xf32>, vector<2x1xf32>, vector<4096x1xf32> -> vector<4096x1xf32>
    %get3A_74 = arith.constant 0 : index
    %get3A_75 = arith.constant 0 : index
    %get3A_76 = vector.load %arg15[%get3A_74, %get3A_75] : memref<1x1xf32, #tpu.memory_space<vmem>>, vector<1x1xf32>
    %add3A_77 = vector.broadcast %get3A_76 : vector<1x1xf32> to vector<4096x1xf32>
    %add3A_78 = arith.addf %dot_general3A_73, %add3A_77 : vector<4096x1xf32>
    %logistic3A = arith.negf %add3A_78 : vector<4096x1xf32>
    %logistic3A_79 = math.exp %logistic3A : vector<4096x1xf32>
    %logistic3A_80 = arith.constant 1.000000e+00 : f32
    %logistic3A_81 = vector.broadcast %logistic3A_80 : f32 to vector<4096x1xf32>
    %logistic3A_82 = arith.addf %logistic3A_81, %logistic3A_79 : vector<4096x1xf32>
    %logistic3A_83 = arith.divf %logistic3A_81, %logistic3A_82 : vector<4096x1xf32>
    %swap3A = arith.constant 0 : index
    %swap3A_84 = arith.constant 0 : index
    %swap3A_85 = vector.load %arg16[%swap3A, %swap3A_84] : memref<4096x1xf32, #tpu.memory_space<vmem>>, vector<4096x1xf32>
    tpu.vector_store %arg16[%swap3A, %swap3A_84], %logistic3A_83 {strides = array<i32>} : memref<4096x1xf32, #tpu.memory_space<vmem>>, vector<4096x1xf32>,
    return
  }
  func.func @transform_0(%arg0: i32) -> (i32, i32) {
    %c0_i32 = arith.constant 0 : i32
    %c0_i32_0 = arith.constant 0 : i32
    return %arg0, %c0_i32 : i32, i32
  }
  func.func @transform_1(%arg0: i32) -> (i32, i32) {
    %c0_i32 = arith.constant 0 : i32
    %c0_i32_0 = arith.constant 0 : i32
    return %arg0, %c0_i32 : i32, i32
  }
  func.func @transform_2(%arg0: i32) -> (i32, i32) {
    %c0_i32 = arith.constant 0 : i32
    %c0_i32_0 = arith.constant 0 : i32
    return %arg0, %c0_i32 : i32, i32
  }
  func.func @transform_3(%arg0: i32) -> (i32, i32) {
    %c0_i32 = arith.constant 0 : i32
    %c0_i32_0 = arith.constant 0 : i32
    %c0_i32_1 = arith.constant 0 : i32
    return %c0_i32, %c0_i32_0 : i32, i32
  }
  func.func @transform_4(%arg0: i32) -> (i32, i32) {
    %c0_i32 = arith.constant 0 : i32
    %c0_i32_0 = arith.constant 0 : i32
    %c0_i32_1 = arith.constant 0 : i32
    return %c0_i32, %c0_i32_0 : i32, i32
  }
  func.func @transform_5(%arg0: i32) -> (i32, i32) {
    %c0_i32 = arith.constant 0 : i32
    %c0_i32_0 = arith.constant 0 : i32
    %c0_i32_1 = arith.constant 0 : i32
    return %c0_i32, %c0_i32_0 : i32, i32
  }
  func.func @transform_6(%arg0: i32) -> (i32, i32) {
    %c0_i32 = arith.constant 0 : i32
    %c0_i32_0 = arith.constant 0 : i32
    %c0_i32_1 = arith.constant 0 : i32
    return %c0_i32, %c0_i32_0 : i32, i32
  }
  func.func @transform_7(%arg0: i32) -> (i32, i32) {
    %c0_i32 = arith.constant 0 : i32
    %c0_i32_0 = arith.constant 0 : i32
    %c0_i32_1 = arith.constant 0 : i32
    return %c0_i32, %c0_i32_0 : i32, i32
  }
  func.func @transform_8(%arg0: i32) -> (i32, i32) {
    %c0_i32 = arith.constant 0 : i32
    %c0_i32_0 = arith.constant 0 : i32
    %c0_i32_1 = arith.constant 0 : i32
    return %c0_i32, %c0_i32_0 : i32, i32
  }
  func.func @transform_9(%arg0: i32) -> (i32, i32) {
    %c0_i32 = arith.constant 0 : i32
    %c0_i32_0 = arith.constant 0 : i32
    %c0_i32_1 = arith.constant 0 : i32
    return %c0_i32, %c0_i32_0 : i32, i32
  }
  func.func @transform_10(%arg0: i32) -> (i32, i32) {
    %c0_i32 = arith.constant 0 : i32
    %c0_i32_0 = arith.constant 0 : i32
    %c0_i32_1 = arith.constant 0 : i32
    return %c0_i32, %c0_i32_0 : i32, i32
  }
  func.func @transform_11(%arg0: i32) -> (i32, i32) {
    %c0_i32 = arith.constant 0 : i32
    %c0_i32_0 = arith.constant 0 : i32
    %c0_i32_1 = arith.constant 0 : i32
    return %c0_i32, %c0_i32_0 : i32, i32
  }
  func.func @transform_12(%arg0: i32) -> (i32, i32) {
    %c0_i32 = arith.constant 0 : i32
    %c0_i32_0 = arith.constant 0 : i32
    %c0_i32_1 = arith.constant 0 : i32
    return %c0_i32, %c0_i32_0 : i32, i32
  }
  func.func @transform_13(%arg0: i32) -> (i32, i32) {
    %c0_i32 = arith.constant 0 : i32
    %c0_i32_0 = arith.constant 0 : i32
    %c0_i32_1 = arith.constant 0 : i32
    return %c0_i32, %c0_i32_0 : i32, i32
  }
  func.func @transform_14(%arg0: i32) -> (i32, i32) {
    %c0_i32 = arith.constant 0 : i32
    %c0_i32_0 = arith.constant 0 : i32
    %c0_i32_1 = arith.constant 0 : i32
    return %c0_i32, %c0_i32_0 : i32, i32
  }
  func.func @transform_15(%arg0: i32) -> (i32, i32) {
    %c0_i32 = arith.constant 0 : i32
    %c0_i32_0 = arith.constant 0 : i32
    return %arg0, %c0_i32 : i32, i32
  }
}

</mosaic_0001>

<sc_bundles>
// kernel: kernel.4.cloned.1.call-start
scs
__scs_entry_jumppad:
0x0: {  	(pc) =	sbr.rel $0x88, $3  }
0x1: {  	(tag) =	ssettag $0x0;
	lr =	simm.s32 $0x1  }
0x2: {  	[smem:$0x3F94] =	sst lr;
	_ =	strace $0xD0000000  }
0x3: {  	_ = 	snop  }
0x4: {  	_ = 	snop  }
0x5: {  	_ = 	snop  }
0x6: {  	_ = 	snop  }
0x7: {  	_ = 	snop  }
__scs_overlays_trampoline_lowered:
0x8: {  	[smem:$0x3FA3] =	sst s0  }
0x9: {  	[smem:$0x3FA4] =	sst s1  }
0xa: {  	[smem:$0x3FA5] =	sst s2  }
0xb: {  	[smem:$0x3FA6] =	sst s3  }
0xc: {  	[smem:$0x3FA7] =	sst s4  }
0xd: {  	[smem:$0x3FA8] =	sst s5  }
0xe: {  	[smem:$0x3FA9] =	sst s6  }
0xf: {  	[smem:$0x3FAA] =	sst s7  }
0x10: {  	[smem:$0x3FAB] =	sst s8  }
0x11: {  	[smem:$0x3FAC] =	sst s9;
	s0 =	simm.s32 @!p0 $0x0  }
0x12: {  	s1 =	sld [smem:$0x3F92];
	s0 =	simm.s32 @p0 $0x1  }
0x13: {  	[smem:$0x3FAD] =	sst s0;
	s0 =	simm.s32 @!p1 $0x0  }
0x14: {  	s2 =	sld [smem:$0x3F91];
	s0 =	simm.s32 @p1 $0x1  }
0x15: {  	[smem:$0x3FAE] =	sst s0;
	s0 =	simm.s32 @!p2 $0x0  }
0x16: {  	s3 =	sld [smem:$0x3FDB];
	s0 =	simm.s32 @p2 $0x1  }
0x17: {  	s4 =	simm.s32 $0x1BF5;
	[smem:$0x3FB0] =	sst s0  }
0x18: {  	s0 =	sld [smem:$0x3F93];
	_ =	swait.ge [sflag:s4], $0x0  }
0x19: {  	s7 =	sld [smem:$0x3F94]  }
0x1a: {  	s8 =	sadd.s32 $0xFFFFE003, lr  }
0x1b: {  	s9 =	sadd.s32 $0xFFFFFEF7, lr;
	s5 =	simm.s32 $0xFFFFFFFF;
	p2 =	slt.u32 s8, $0xFFFFF086  }
0x1c: {  	p1 =	slt.u32 s9, $0xF7A;
	s5 =	simm.s32 @!p2 $0x0  }
0x1d: {  	s5 =	simm.s32 @p1 $0x1;
	p0 =	seq.s32 s7, s2  }
0x1e: {  	s7 =	smul.u32 @!p0 $0xF7A, s2;
	p2 =	seq.s32 @!p0 s5, $0x0  }
0x1f: {  	s9 =	smul.u32 $0xF7A, s1;
	s8 =	simm.s32 @!p0 $0x1BF5;
	p2 =	por !p2, p0  }
0x20: {  	[sflag:s8] =	ssyncset.s32 @!p0 $0xFFFFF086;
	s6 =	sadd.s32 @!p0 s3, s7;
	s7 =	simm.s32 @!p0 $0x108  }
0x21: {  	s3 =	sadd.s32 s3, s9;
	s6 =	sadd.s32 @!p0 $0x88, s6;
	s7 =	simm.s32 @p2 $0x1082  }
0x22: {  	[simem:s7], [sflag:s8] =	dma.local @!p0 [hbm:s6], $0xF7A  }
0x23: {  	s9 =	sor.u32 $0xD0000000, s2;
	s6 =	simm.s32 $0x108;
	_ =	swait.ge @!p0 [sflag:s8], $0x0  }
0x24: {  	s3 =	sadd.s32 $0x88, s3;
	s6 =	simm.s32 @!p1 $0x1082;
	[sflag:s4] =	ssyncset.s32 $0xFFFFF086  }
0x25: {  	[simem:s6], [sflag:s4] =	dma.local [hbm:s3], $0xF7A  }
0x26: {  	[smem:$0x3F94] =	sst s1;
	(tag) =	ssettag s2;
	_ =	strace s9  }
0x27: {  	s1 =	sld [smem:$0x3FA4]  }
0x28: {  	s2 =	sld [smem:$0x3FA5]  }
0x29: {  	s4 =	sld [smem:$0x3FA7]  }
0x2a: {  	p0 =	seq.s32 s5, $0x0;
	s5 =	sld [smem:$0x3FA8]  }
0x2b: {  	s6 =	sld [smem:$0x3FA9]  }
0x2c: {  	s7 =	sld [smem:$0x3FAA]  }
0x2d: {  	s3 =	simm.s32 $0x108;
	s8 =	sld [smem:$0x3FAB]  }
0x2e: {  	s3 =	simm.s32 @!p0 $0x1082;
	s9 =	sld [smem:$0x3FAC]  }
0x2f: {  	lr =	sadd.s32 s0, s3;
	s0 =	sld [smem:$0x3FA3]  }
0x30: {  	s3 =	sld [smem:$0x3FA6]  }
0x31: {  	[smem:$0x3FAF] =	sst s10  }
0x32: {  	s10 =	sld [smem:$0x3FAD];
	_ =	sdelay $0x3  }
0x33: {  	p0 =	seq.s32 s10, $0x1;
	s10 =	sld [smem:$0x3FAF];
	_ =	sdelay $0x3  }
0x34: {  	[smem:$0x3FAF] =	sst s10  }
0x35: {  	s10 =	sld [smem:$0x3FAE];
	_ =	sdelay $0x3  }
0x36: {  	p1 =	seq.s32 s10, $0x1;
	s10 =	sld [smem:$0x3FAF];
	_ =	sdelay $0x3  }
0x37: {  	[smem:$0x3FAF] =	sst s10  }
0x38: {  	s10 =	sld [smem:$0x3FB0]  }
0x39: {  	_ = 	snop;
	(pc) =	sbr.ind lr, $3  }
0x3a: {  	_ = 	snop  }
0x3b: {  	_ = 	snop  }
0x3c: {  	p2 =	seq.s32 s10, $0x1;
	s10 =	sld [smem:$0x3FAF]  }
0x3d: {  	_ =	shalt  }
0x3e: {  	_ =	shalt  }
0x3f: {  	_ =	shalt  }
0x40: {  	_ =	shalt  }
0x41: {  	_ =	shalt  }
0x42: {  	_ =	shalt  }
0x43: {  	_ =	shalt  }
0x44: {  	_ =	shalt  }
0x45: {  	_ =	shalt  }
0x46: {  	_ =	shalt  }
0x47: {  	_ =	shalt  }
0x48: {  	_ =	shalt  }
0x49: {  	_ =	shalt  }
0x4a: {  	_ =	shalt  }
0x4b: {  	_ =	shalt  }
0x4c: {  	_ =	shalt  }
0x4d: {  	_ =	shalt  }
0x4e: {  	_ =	shalt  }
0x4f: {  	_ =	shalt  }
0x50: {  	_ =	shalt  }
0x51: {  	_ =	shalt  }
0x52: {  	_ =	shalt  }
0x53: {  	_ =	shalt  }
0x54: {  	_ =	shalt  }
0x55: {  	_ =	shalt  }
0x56: {  	_ =	shalt  }
0x57: {  	_ =	shalt  }
0x58: {  	_ =	shalt  }
0x59: {  	_ =	shalt  }
0x5a: {  	_ =	shalt  }
0x5b: {  	_ =	shalt  }
0x5c: {  	_ =	shalt  }
0x5d: {  	_ =	shalt  }
0x5e: {  	_ =	shalt  }
0x5f: {  	_ =	shalt  }
0x60: {  	_ =	shalt  }
0x61: {  	_ =	shalt  }
0x62: {  	_ =	shalt  }
0x63: {  	_ =	shalt  }
0x64: {  	_ =	shalt  }
0x65: {  	_ =	shalt  }
0x66: {  	_ =	shalt  }
0x67: {  	_ =	shalt  }
0x68: {  	_ =	shalt  }
0x69: {  	_ =	shalt  }
0x6a: {  	_ =	shalt  }
0x6b: {  	_ =	shalt  }
0x6c: {  	_ =	shalt  }
0x6d: {  	_ =	shalt  }
0x6e: {  	_ =	shalt  }
0x6f: {  	_ =	shalt  }
0x70: {  	_ =	shalt  }
0x71: {  	_ =	shalt  }
0x72: {  	_ =	shalt  }
0x73: {  	_ =	shalt  }
0x74: {  	_ =	shalt  }
0x75: {  	_ =	shalt  }
0x76: {  	_ =	shalt  }
0x77: {  	_ =	shalt  }
0x78: {  	_ =	shalt  }
0x79: {  	_ =	shalt  }
0x7a: {  	_ =	shalt  }
0x7b: {  	_ =	shalt  }
0x7c: {  	_ =	shalt  }
0x7d: {  	_ =	shalt  }
0x7e: {  	_ =	shalt  }
0x7f: {  	_ =	shalt  }
0x80: {  	_ =	shalt  }
0x81: {  	_ =	shalt  }
0x82: {  	_ =	shalt  }
0x83: {  	_ =	shalt  }
0x84: {  	_ =	shalt  }
0x85: {  	_ =	shalt  }
0x86: {  	_ =	shalt  }
0x87: {  	_ =	shalt  }
.Lfunc_end0:
.L_simem_size_0:
called_computation_lowered:
.L_overlay_start_0:
0x88: {  	s2 =	sld [smem:$0x3FD9]  }
0x89: {  	s3 =	sld [smem:$0x3FFE];
	_ =	sdelay $0x1  }
0x8a: {  	s1 =	srdreg.scid  }
0x8b: {  	s0 =	sand.u32 $0x1, s1  }
0x8c: {  	s17 =	sshll.u32 s0, $0xA;
	s2 =	sadd.s32 s3, s2  }
0x8d: {  	s2 =	sadd.s32 s2, s17  }
0x8e: {  	[smem:$0x3FBB] =	sst s2  }
0x8f: {  	_ = 	snop  }
0x90: {  	s2 =	sld [smem:$0x3FD0];
	(tm) =	ssettm $0x1  }
0x91: {  	s18 =	sld [smem:$0x3FFB];
	_ =	sdelay $0x3  }
0x92: {  	_ =	strace s18  }
0x93: {  	s3 =	sld [smem:$0x3FFC];
	_ =	sdelay $0x3  }
0x94: {  	_ =	strace s3  }
0x95: {  	s3 =	sld [smem:$0x3FFD];
	_ =	sdelay $0x3  }
0x96: {  	_ =	strace s3  }
0x97: {  	_ =	strace $0x8FFFFFFF  }
0x98: {  	s19 =	sld [smem:$0x3FDB];
	_ =	sdelay $0x1  }
0x99: {  	s4 =	simm.s32 $_scs_section_size  }
0x9a: {  	s5 =	simm.s32 $_size__tile_overlayer_lowered;
	s6 =	simm.s32 $_tile_overlayer_lowered  }
0x9b: {  	s22 =	simm.s32 $0x1BFF;
	s21 =	sshll.u32 s6, $0x1;
	s3 =	sadd.s32 s4, s19  }
0x9c: {  	s7 =	simm.s32 $0x0;
	s20 =	sshll.u32 s5, $0x1;
	s5 =	sadd.s32 s21, s3  }
0x9d: {  	[timem:s7], [sflag:s22] =	dma.local [hbm:s5], s20  }
0x9e: {  	_ =	swait.ge [sflag:s22], s20  }
0x9f: {  	s4 =	ssub.s32 $0x0, s20;
	[sflag:s22] =	ssyncset.done $0x0  }
0xa0: {  	[sflag:s22] =	ssyncadd.s32 s4;
	_ =	sdelay $0x1  }
0xa1: {  	s23 =	simm.s32 $0x1B8B  }
0xa2: {  	_ =	swait.ge [sflag:s23], $0x1  }
0xa3: {  	[sflag:s23] =	ssyncset.done $0x0  }
0xa4: {  	s25 =	simm.s32 $0x1B8E;
	s24 =	sld [smem:$0x3FFE];
	[sflag:s23] =	ssyncadd.s32 $0xFFFFFFFF  }
0xa5: {  	s26 =	simm.s32 $execute0_lowered;
	[smem:$0x3FD2] =	sst s25  }
0xa6: {  	s5 =	sshll.u32 s26, $0x1;
	_ =	strace $0x80000046;
	[dreg:$0x1] =	wrdreg $0xFFFFFFFF  }
0xa7: {  	s28 =	simm.s32 $_size_execute0_lowered;
	s3 =	sadd.s32 s3, s5;
	[dreg:$0x0] =	wrdreg $0x0  }
0xa8: {  	s5 =	sshll.u32 s28, $0x1;
	[dreg:$0x2] =	wrdreg s3  }
0xa9: {  	[dreg:$0x3] =	wrdreg s5  }
0xaa: {  	[dreg:$0x4] =	wrdreg $0xC0  }
0xab: {  	_ =	task [dreg:s7], $0x5FFFF  }
0xac: {  	[dreg:$0x1] =	wrdreg $0xFFFFFFFF  }
0xad: {  	[dreg:$0x0] =	wrdreg $0x60  }
0xae: {  	[dreg:$0x2] =	wrdreg s24  }
0xaf: {  	[dreg:$0x3] =	wrdreg s2  }
0xb0: {  	[dreg:$0x4] =	wrdreg $0x9  }
0xb1: {  	_ =	task.clear_ibuf [dreg:s7], $0x5FFFF;
	_ =	strace $0x90000046  }
0xb2: {  	s29 =	simm.s32 $0x9;
	_ =	strace $0x80000048  }
0xb3: {  	_ =	swait.ge [sflag:s29], $0x1  }
0xb4: {  	[sflag:s29] =	ssyncadd.s32 $0xFFFFFFFF  }
0xb5: {  	_ =	strace $0x90000048  }
0xb6: {  	_ =	sfence  }
0xb7: {  	s30 =	sld [smem:$0x0];
	_ =	sdelay $0x2  }
0xb8: {  	s31 =	sshll.u32 s1, $0xD;
	s1 =	sshrl.u32 s1, $0x2  }
0xb9: {  	s3 =	sand.u32 $0x4000, s31;
	s1 =	sadd.s32 s1, s30  }
0xba: {  	s0 =	sor.u32 s3, s0;
	s1 =	sshll.u32 s1, $0x11  }
0xbb: {  	s0 =	sor.u32 s1, s0  }
0xbc: {  	s0 =	sadd.s32 $0x8F2B, s0  }
0xbd: {  	[sflag:s0] =	ssyncadd.remote.s32 $0x1  }
0xbe: {  	_ =	sfence.sel $0xFFFF  }
0xbf: {  	[dreg:$0x0] =	wrdreg $0xFFFFFFFF;
	(pc) =	sbr.abs _section_cstart, $3  }
0xc0: {  	[dreg:$0x1] =	wrdreg $0xFFFFFFFF  }
0xc1: {  	_ =	task.clear_ibuf [dreg:s7], $0x2FFFF;
	_ =	strace $0x9FFFFFFF  }
0xc2: {  	(tm) =	ssettm $0x7FFFFFFF  }
0xc3: {  	_ =	shalt  }
tec
execute0_lowered:
.L_overlay_start_1:
0x0: {  	(tag) =	ssettag $0x1  }
0x1: {  	s5 =	rddreg [dreg:$0x0];
	s1 =	srdreg.scid  }
0x2: {  	s0 =	stileid.u32;
	s2 =	rddreg [dreg:$0x1]  }
0x3: {  	s3 =	simm.s32 $0x0;
	s10 =	simm.s32 $0x2;
	s11 =	simm.s32 $0x3400  }
0x4: {  	s12 =	simm.s32 $0x6800;
	s4 =	sand.u32 $0x1, s1;
	s6 =	sshll.u32 s0, $0x1  }
0x5: {  	s13 =	simm.s32 $0x9C00;
	s14 =	simm.s32 $0x1;
	s6 =	sor.u32 s4, s6  }
0x6: {  	s15 =	simm.s32 $0x0;
	[smem:$0x7FF] =	sst s3;
	s6 =	smul.u32 $0x680, s6  }
0x7: {  	s1 =	rddreg [dreg:$0x2];
	_ =	strace $0x80000047;
	s7 =	ssub.s32 $0x2, s4  }
0x8: {  	s4 =	sadd.s32 $0x27AE600, s5;
	s31 =	sshrl.u32 s7, $0x1;
	s8 =	sadd.s32 s6, s5  }
0x9: {  	s9 =	ssub.s32 s7, s31;
	s5 =	sadd.s32 $0x2200, s8;
	s6 =	sadd.s32 $0xF200, s8  }
0xa: {  	s7 =	sadd.s32 $0x1C200, s8;
	s8 =	smax.u32 s9, $0x1;
	s9 =	simm.s32 $0xD000  }
.LBB2_1:
0xb: {  	[tilespmem:s9], [sflag:$0x2] =	stream.linear.gather [hbm4b:s2+s3], $0x100, $0x38;
	[tilespmem:$0xD100] =	vst v63  }
0xc: {  	_ =	swait.ge [sflag:s10], $0x100  }
0xd: {  	[sflag:s10] =	ssyncset.done $0x0  }
0xe: {  	[sflag:s10] =	ssyncadd.s32 $0xFFFFFF00  }
0xf: {  	[tilespmem:s3], [sflag:$0x2] =	stream.linear.gather [hbm4b:s5+s3], $0x3400, $0x38;
	[tilespmem:$0xD100] =	vst v63  }
0x10: {  	_ =	swait.ge [sflag:s10], $0x3400  }
0x11: {  	[sflag:s10] =	ssyncset.done $0x0  }
0x12: {  	s16 =	simm.s32 $0x60;
	[sflag:s10] =	ssyncadd.s32 $0xFFFFCC00  }
0x13: {  	v0 =	vld [tilespmem:s16+$0xFFFFFFA0]  }
0x14: {  	v1 =	vld [tilespmem:$0xD000];
	_ =	sdelay $0x4  }
0x15: {  	v0 =	vadd.s32 v0, v1  }
0x16: {  	v0 =	vshll.u32 v0, $0x1  }
0x17: {  	s17 =	simm.s32 $0x3460;
	[tilespmem:s16+$0xFFFFFFA0] =	vst v0;
	v0 =	vor.u32 $0x1, v0  }
0x18: {  	[tilespmem:s17+$0xFFFFFFA0] =	vst v0  }
0x19: {  	v0 =	vld [tilespmem:s16+$0xFFFFFFB0]  }
0x1a: {  	v1 =	vld [tilespmem:$0xD010];
	_ =	sdelay $0x4  }
0x1b: {  	v0 =	vadd.s32 v0, v1  }
0x1c: {  	v0 =	vshll.u32 v0, $0x1  }
0x1d: {  	[tilespmem:s16+$0xFFFFFFB0] =	vst v0;
	v0 =	vor.u32 $0x1, v0  }
0x1e: {  	[tilespmem:s17+$0xFFFFFFB0] =	vst v0  }
0x1f: {  	v0 =	vld [tilespmem:s16+$0xFFFFFFC0]  }
0x20: {  	v1 =	vld [tilespmem:$0xD020];
	_ =	sdelay $0x4  }
0x21: {  	v0 =	vadd.s32 v0, v1  }
0x22: {  	v0 =	vshll.u32 v0, $0x1  }
0x23: {  	[tilespmem:s16+$0xFFFFFFC0] =	vst v0;
	v0 =	vor.u32 $0x1, v0  }
0x24: {  	[tilespmem:s17+$0xFFFFFFC0] =	vst v0  }
0x25: {  	v0 =	vld [tilespmem:s16+$0xFFFFFFD0]  }
0x26: {  	v1 =	vld [tilespmem:$0xD030];
	_ =	sdelay $0x4  }
0x27: {  	v0 =	vadd.s32 v0, v1  }
0x28: {  	v0 =	vshll.u32 v0, $0x1  }
0x29: {  	[tilespmem:s16+$0xFFFFFFD0] =	vst v0;
	v0 =	vor.u32 $0x1, v0  }
0x2a: {  	[tilespmem:s17+$0xFFFFFFD0] =	vst v0  }
0x2b: {  	v0 =	vld [tilespmem:s16+$0xFFFFFFE0]  }
0x2c: {  	v1 =	vld [tilespmem:$0xD040];
	_ =	sdelay $0x4  }
0x2d: {  	v0 =	vadd.s32 v0, v1  }
0x2e: {  	v0 =	vshll.u32 v0, $0x1  }
0x2f: {  	[tilespmem:s16+$0xFFFFFFE0] =	vst v0;
	v0 =	vor.u32 $0x1, v0  }
0x30: {  	[tilespmem:s17+$0xFFFFFFE0] =	vst v0  }
0x31: {  	v0 =	vld [tilespmem:s16+$0xFFFFFFF0]  }
0x32: {  	v1 =	vld [tilespmem:$0xD050];
	_ =	sdelay $0x4  }
0x33: {  	v0 =	vadd.s32 v0, v1  }
0x34: {  	v0 =	vshll.u32 v0, $0x1  }
0x35: {  	[tilespmem:s16+$0xFFFFFFF0] =	vst v0;
	v0 =	vor.u32 $0x1, v0  }
0x36: {  	[tilespmem:s17+$0xFFFFFFF0] =	vst v0  }
0x37: {  	v0 =	vld [tilespmem:s16+$0x0]  }
0x38: {  	v1 =	vld [tilespmem:$0xD060];
	_ =	sdelay $0x4  }
0x39: {  	v0 =	vadd.s32 v0, v1  }
0x3a: {  	v0 =	vshll.u32 v0, $0x1  }
0x3b: {  	[tilespmem:s16+$0x0] =	vst v0;
	v0 =	vor.u32 $0x1, v0  }
0x3c: {  	[tilespmem:s17+$0x0] =	vst v0  }
0x3d: {  	v0 =	vld [tilespmem:s16+$0x10]  }
0x3e: {  	v1 =	vld [tilespmem:$0xD070];
	_ =	sdelay $0x4  }
0x3f: {  	v0 =	vadd.s32 v0, v1  }
0x40: {  	v0 =	vshll.u32 v0, $0x1  }
0x41: {  	[tilespmem:s16+$0x10] =	vst v0;
	v0 =	vor.u32 $0x1, v0  }
0x42: {  	s18 =	sand.u32 $0x3FF0, s3;
	[tilespmem:s17+$0x10] =	vst v0  }
0x43: {  	v0 =	vld [tilespmem:s18+$0x80]  }
0x44: {  	v1 =	vld [tilespmem:$0xD080];
	_ =	sdelay $0x4  }
0x45: {  	v0 =	vadd.s32 v0, v1  }
0x46: {  	v0 =	vshll.u32 v0, $0x1  }
0x47: {  	[tilespmem:s18+$0x80] =	vst v0;
	v0 =	vor.u32 $0x1, v0  }
0x48: {  	[tilespmem:s18+$0x3480] =	vst v0  }
0x49: {  	v0 =	vld [tilespmem:s16+$0x30]  }
0x4a: {  	v1 =	vld [tilespmem:$0xD090];
	_ =	sdelay $0x4  }
0x4b: {  	v0 =	vadd.s32 v0, v1  }
0x4c: {  	v0 =	vshll.u32 v0, $0x1  }
0x4d: {  	[tilespmem:s16+$0x30] =	vst v0;
	v0 =	vor.u32 $0x1, v0  }
0x4e: {  	[tilespmem:s17+$0x30] =	vst v0  }
0x4f: {  	v0 =	vld [tilespmem:s16+$0x40]  }
0x50: {  	v1 =	vld [tilespmem:$0xD0A0];
	_ =	sdelay $0x4  }
0x51: {  	v0 =	vadd.s32 v0, v1  }
0x52: {  	v0 =	vshll.u32 v0, $0x1  }
0x53: {  	[tilespmem:s16+$0x40] =	vst v0;
	v0 =	vor.u32 $0x1, v0  }
0x54: {  	[tilespmem:s17+$0x40] =	vst v0  }
0x55: {  	v0 =	vld [tilespmem:s16+$0x50]  }
0x56: {  	v1 =	vld [tilespmem:$0xD0B0];
	_ =	sdelay $0x4  }
0x57: {  	s20 =	simm.s32 $0xD0;
	s19 =	simm.s32 $0x60;
	s18 =	simm.s32 $0x3460;
	v0 =	vadd.s32 v0, v1  }
.LBB2_2:
0x58: {  	p0 =	sne.s32 s20, $0x3330;
	v0 =	vshll.u32 v0, $0x1;
	s16 =	sadd.s32 $0xD0, s16;
	s17 =	sadd.s32 $0xD0, s17  }
0x59: {  	s21 =	smov.u32 s20;
	s20 =	sadd.s32 $0xD0, s20;
	[tilespmem:s19+$0x50] =	vst v0;
	v0 =	vor.u32 $0x1, v0  }
0x5a: {  	[tilespmem:s18+$0x50] =	vst v0  }
0x5b: {  	v0 =	vld [tilespmem:s19+$0x60]  }
0x5c: {  	v1 =	vld [tilespmem:$0xD0C0];
	_ =	sdelay $0x4  }
0x5d: {  	v0 =	vadd.s32 v0, v1  }
0x5e: {  	v0 =	vshll.u32 v0, $0x1  }
0x5f: {  	[tilespmem:s19+$0x60] =	vst v0;
	v0 =	vor.u32 $0x1, v0;
	s19 =	smov.u32 s16  }
0x60: {  	[tilespmem:s18+$0x60] =	vst v0;
	s18 =	smov.u32 s17  }
0x61: {  	v0 =	vld [tilespmem:s16+$0xFFFFFFA0]  }
0x62: {  	v1 =	vld [tilespmem:$0xD000];
	_ =	sdelay $0x4  }
0x63: {  	v0 =	vadd.s32 v0, v1  }
0x64: {  	v0 =	vshll.u32 v0, $0x1  }
0x65: {  	[tilespmem:s16+$0xFFFFFFA0] =	vst v0;
	v0 =	vor.u32 $0x1, v0  }
0x66: {  	[tilespmem:s17+$0xFFFFFFA0] =	vst v0  }
0x67: {  	v0 =	vld [tilespmem:s16+$0xFFFFFFB0]  }
0x68: {  	v1 =	vld [tilespmem:$0xD010];
	_ =	sdelay $0x4  }
0x69: {  	v0 =	vadd.s32 v0, v1  }
0x6a: {  	v0 =	vshll.u32 v0, $0x1  }
0x6b: {  	[tilespmem:s16+$0xFFFFFFB0] =	vst v0;
	v0 =	vor.u32 $0x1, v0  }
0x6c: {  	[tilespmem:s17+$0xFFFFFFB0] =	vst v0  }
0x6d: {  	v0 =	vld [tilespmem:s16+$0xFFFFFFC0]  }
0x6e: {  	v1 =	vld [tilespmem:$0xD020];
	_ =	sdelay $0x4  }
0x6f: {  	v0 =	vadd.s32 v0, v1  }
0x70: {  	v0 =	vshll.u32 v0, $0x1  }
0x71: {  	[tilespmem:s16+$0xFFFFFFC0] =	vst v0;
	v0 =	vor.u32 $0x1, v0  }
0x72: {  	[tilespmem:s17+$0xFFFFFFC0] =	vst v0  }
0x73: {  	v0 =	vld [tilespmem:s16+$0xFFFFFFD0]  }
0x74: {  	v1 =	vld [tilespmem:$0xD030];
	_ =	sdelay $0x4  }
0x75: {  	v0 =	vadd.s32 v0, v1  }
0x76: {  	v0 =	vshll.u32 v0, $0x1  }
0x77: {  	[tilespmem:s16+$0xFFFFFFD0] =	vst v0;
	v0 =	vor.u32 $0x1, v0  }
0x78: {  	[tilespmem:s17+$0xFFFFFFD0] =	vst v0  }
0x79: {  	v0 =	vld [tilespmem:s16+$0xFFFFFFE0]  }
0x7a: {  	v1 =	vld [tilespmem:$0xD040];
	_ =	sdelay $0x4  }
0x7b: {  	v0 =	vadd.s32 v0, v1  }
0x7c: {  	v0 =	vshll.u32 v0, $0x1  }
0x7d: {  	[tilespmem:s16+$0xFFFFFFE0] =	vst v0;
	v0 =	vor.u32 $0x1, v0  }
0x7e: {  	[tilespmem:s17+$0xFFFFFFE0] =	vst v0  }
0x7f: {  	v0 =	vld [tilespmem:s16+$0xFFFFFFF0]  }
0x80: {  	v1 =	vld [tilespmem:$0xD050];
	_ =	sdelay $0x4  }
0x81: {  	v0 =	vadd.s32 v0, v1  }
0x82: {  	v0 =	vshll.u32 v0, $0x1  }
0x83: {  	[tilespmem:s16+$0xFFFFFFF0] =	vst v0;
	v0 =	vor.u32 $0x1, v0  }
0x84: {  	[tilespmem:s17+$0xFFFFFFF0] =	vst v0  }
0x85: {  	v0 =	vld [tilespmem:s16+$0x0]  }
0x86: {  	v1 =	vld [tilespmem:$0xD060];
	_ =	sdelay $0x4  }
0x87: {  	v0 =	vadd.s32 v0, v1  }
0x88: {  	v0 =	vshll.u32 v0, $0x1  }
0x89: {  	[tilespmem:s16+$0x0] =	vst v0;
	v0 =	vor.u32 $0x1, v0  }
0x8a: {  	[tilespmem:s17+$0x0] =	vst v0  }
0x8b: {  	v0 =	vld [tilespmem:s16+$0x10]  }
0x8c: {  	v1 =	vld [tilespmem:$0xD070];
	_ =	sdelay $0x4  }
0x8d: {  	v0 =	vadd.s32 v0, v1  }
0x8e: {  	v0 =	vshll.u32 v0, $0x1  }
0x8f: {  	[tilespmem:s16+$0x10] =	vst v0;
	v0 =	vor.u32 $0x1, v0  }
0x90: {  	s21 =	sand.u32 $0x3FF0, s21;
	[tilespmem:s17+$0x10] =	vst v0  }
0x91: {  	v0 =	vld [tilespmem:s21+$0x80]  }
0x92: {  	v1 =	vld [tilespmem:$0xD080];
	_ =	sdelay $0x4  }
0x93: {  	v0 =	vadd.s32 v0, v1  }
0x94: {  	v0 =	vshll.u32 v0, $0x1  }
0x95: {  	[tilespmem:s21+$0x80] =	vst v0;
	v0 =	vor.u32 $0x1, v0  }
0x96: {  	[tilespmem:s21+$0x3480] =	vst v0  }
0x97: {  	v0 =	vld [tilespmem:s16+$0x30]  }
0x98: {  	v1 =	vld [tilespmem:$0xD090];
	_ =	sdelay $0x4  }
0x99: {  	v0 =	vadd.s32 v0, v1  }
0x9a: {  	v0 =	vshll.u32 v0, $0x1  }
0x9b: {  	[tilespmem:s16+$0x30] =	vst v0;
	v0 =	vor.u32 $0x1, v0  }
0x9c: {  	[tilespmem:s17+$0x30] =	vst v0  }
0x9d: {  	v0 =	vld [tilespmem:s16+$0x40]  }
0x9e: {  	v1 =	vld [tilespmem:$0xD0A0];
	_ =	sdelay $0x4  }
0x9f: {  	v0 =	vadd.s32 v0, v1  }
0xa0: {  	v0 =	vshll.u32 v0, $0x1  }
0xa1: {  	[tilespmem:s16+$0x40] =	vst v0;
	v0 =	vor.u32 $0x1, v0  }
0xa2: {  	[tilespmem:s17+$0x40] =	vst v0  }
0xa3: {  	v0 =	vld [tilespmem:s16+$0x50]  }
0xa4: {  	v1 =	vld [tilespmem:$0xD0B0]  }
.Ltmp0:
0xa5: {  	(pc) =	sbr.rel @p0 .LBB2_2-.Ltmp0, $2  }
0xa6: {  	_ =	sdelay $0x2  }
0xa7: {  	v0 =	vadd.s32 v0, v1  }
0xa8: {  	v0 =	vshll.u32 v0, $0x1  }
0xa9: {  	[tilespmem:s19+$0x50] =	vst v0;
	v0 =	vor.u32 $0x1, v0  }
0xaa: {  	[tilespmem:s18+$0x50] =	vst v0  }
0xab: {  	v0 =	vld [tilespmem:s19+$0x60]  }
0xac: {  	v1 =	vld [tilespmem:$0xD0C0];
	_ =	sdelay $0x4  }
0xad: {  	v0 =	vadd.s32 v0, v1  }
0xae: {  	v0 =	vshll.u32 v0, $0x1  }
0xaf: {  	[tilespmem:s19+$0x60] =	vst v0;
	v0 =	vor.u32 $0x1, v0  }
0xb0: {  	[tilespmem:s18+$0x60] =	vst v0  }
0xb1: {  	[tilespmem:s12], [sflag:$0x1] =	stream.indirect.gather [hbm4b:s4+s11], $0x1, s3, s11, $0xb8;
	[tilespmem:$0xD100] =	vst v63  }
0xb2: {  	_ = 	snop  }
0xb3: {  	[tilespmem:s13], [sflag:$0x1] =	stream.indirect.gather [hbm4b:s4+s11], $0x1, s11, s11, $0xb8;
	[tilespmem:$0xD100] =	vst v63  }
0xb4: {  	_ =	swait.ge [sflag:s14], $0x3400  }
0xb5: {  	[sflag:s14] =	ssyncset.done $0x0  }
0xb6: {  	[sflag:s14] =	ssyncadd.s32 $0xFFFFCC00  }
0xb7: {  	_ =	swait.ge [sflag:s14], $0x3400  }
0xb8: {  	[sflag:s14] =	ssyncset.done $0x0  }
0xb9: {  	[sflag:s14] =	ssyncadd.s32 $0xFFFFCC00  }
0xba: {  	[hbm4b:s6+s3] =	stream.linear.scatter [tilespmem:s12], [sflag:$0x2], $0x3400, $0x38;
	[tilespmem:$0xD100] =	vst v63  }
0xbb: {  	s15 =	sadd.s32 $0x1, s15;
	_ =	swait.ge [sflag:s10], $0x3400  }
0xbc: {  	p0 =	sne.s32 s15, s8;
	[sflag:s10] =	ssyncset.done $0x0  }
.Ltmp1:
0xbd: {  	[sflag:s10] =	ssyncadd.s32 $0xFFFFCC00;
	(pc) =	sbr.rel @p0 .LBB2_1-.Ltmp1, $4  }
0xbe: {  	[hbm4b:s7+s3] =	stream.linear.scatter [tilespmem:s13], [sflag:$0x2], $0x3400, $0x38;
	[tilespmem:$0xD100] =	vst v63  }
0xbf: {  	_ =	swait.ge [sflag:s10], $0x3400  }
0xc0: {  	[sflag:s10] =	ssyncset.done $0x0  }
0xc1: {  	[sflag:s10] =	ssyncadd.s32 $0xFFFFCC00  }
0xc2: {  	_ =	sfence.sel $0x180000  }
0xc3: {  	[bflag:$0x0] =	sbarrier.arrive $0xFFFF  }
0xc4: {  	p0 =	sne.s32 s0, $0x0;
	_ =	strace $0x90000047  }
0xc5: {  	s0 =	sadd.s32 @!p0 $0x100000, s1;
	[bflag:$0x2] =	sbarrier.arrive $0xFFFF  }
0xc6: {  	[sflag:s0] =	ssyncadd.tile.s32 @!p0 $0x1;
	_ =	shalt  }
.Lfunc_end2:
_tile_overlayer_lowered:
.L_overlay_start_2:
0xc7: {  	(tag) =	ssettag $0x2  }
0xc8: {  	s0 =	rddreg [dreg:$0x0];
	s2 =	stileid.u32  }
0xc9: {  	s1 =	rddreg [dreg:$0x1];
	p0 =	sne.s32 s2, $0x0  }
0xca: {  	s3 =	rddreg [dreg:$0x2];
	[bflag:$0x3] =	sbarrier.arrive $0xFFFF;
	s2 =	simm.s32 @!p0 $0x1C02  }
0xcb: {  	[timem:s3], [sflag:s2] =	dma.local @!p0 [hbm:s0], s1  }
0xcc: {  	s0 =	simm.s32 @!p0 $0x2  }
0xcd: {  	_ =	swait.ge @!p0 [sflag:s0], s1  }
0xce: {  	s1 =	ssub.s32 @!p0 $0x0, s1;
	[sflag:s0] =	ssyncset.done @!p0 $0x0  }
0xcf: {  	[sflag:s0] =	ssyncadd.s32 @!p0 s1  }
0xd0: {  	[bflag:$0x3] =	sbarrier.arrive $0xFFFF  }
0xd1: {  	_ =	shalt  }

</sc_bundles>
